<compile_context>
chip_gen: v7x
topology: tpu7x:2x2x1
jax: 0.10.2.dev20260603
libtpu: 0.0.44.dev20260713+nightly
codegen_flags: <defaults>
</compile_context>

<pallas_src>
import functools

import jax
import jax.numpy as jnp
from jax import lax
from jax.experimental import pallas as pl
from jax.experimental.pallas import tpu as pltpu
from jax.experimental.pallas import tpu_sc as plsc

_NC = 2
_NS = 16
_NW = _NC * _NS
_L = 16

_B = 4
_S = 8192
_D = 8
_N = _B * _S
_PER_W = _N // _NW
_W_PER_ROW = _S // _PER_W
_UNROLL = 2


def _body(ids_hbm, we_hbm, wp_hbm, bp_hbm, out_hbm,
          idx_v, out_v, we_v, wp_v, bp_v, tbl_v, sem1, sem2):
    wid = lax.axis_index("s") * _NC + lax.axis_index("c")
    base = wid * _PER_W

    b_row = wid // _W_PER_ROW
    s_off = (wid % _W_PER_ROW) * _PER_W
    cp_ids = pltpu.make_async_copy(
        ids_hbm.at[b_row, pl.ds(s_off, _PER_W)], idx_v, sem1)
    cp_we = pltpu.make_async_copy(we_hbm, we_v, sem2)
    cp_wp = pltpu.make_async_copy(wp_hbm, wp_v, sem2)
    cp_bp = pltpu.make_async_copy(bp_hbm, bp_v, sem2)
    cp_we.start()
    cp_wp.start()
    cp_bp.start()
    cp_ids.start()
    cp_we.wait()
    cp_wp.wait()
    cp_bp.wait()

    lane = lax.iota(jnp.int32, _L)
    d_vec = lane & 7
    lane8 = lane * _D

    bias = plsc.load_gather(bp_v, [d_vec])
    k_splats = [jnp.full((_L,), k, jnp.int32) for k in range(_D)]
    p_ks = [plsc.load_gather(wp_v, [d_vec, k_splats[k]]) for k in range(_D)]
    for t in range(4):
        v_vec = (lane >> 3) + 2 * t
        acc = bias
        for k in range(_D):
            e = plsc.load_gather(we_v, [v_vec, k_splats[k]])
            acc = acc + e * p_ks[k]
        tbl_v[pl.ds(_L * t, _L)] = acc

    cp_ids.wait()

    _NQ = 2
    _HV = _PER_W // (_NQ * _L)
    _HF = _HV * _L * _D

    def _chunk(h):
        @plsc.parallel_loop(h * _HV, (h + 1) * _HV, step=1, unroll=_UNROLL)
        def _loop(jj):
            ids16 = idx_v[pl.ds(jj * _L, _L)]
            rowbase = ids16 * _D
            obase = jj * (_L * _D) + lane8
            for dd in range(_D):
                vals = plsc.load_gather(tbl_v, [rowbase + dd])
                plsc.store_scatter(out_v, [obase + dd], vals)
        return pltpu.make_async_copy(
            out_v.at[pl.ds(h * _HF, _HF)],
            out_hbm.at[pl.ds(base * _D + h * _HF, _HF)],
            sem1,
        )

    cps = []
    for h in range(_NQ):
        cp = _chunk(h)
        cp.start()
        cps.append(cp)
    for cp in cps:
        cp.wait()


_sc_call = functools.partial(
    pl.kernel,
    mesh=plsc.VectorSubcoreMesh(core_axis_name="c", subcore_axis_name="s"),
    out_type=jax.ShapeDtypeStruct((_N * _D,), jnp.float32),
    scratch_types=[
        pltpu.VMEM((_PER_W,), jnp.int32),
        pltpu.VMEM((_PER_W * _D,), jnp.float32),
        pltpu.VMEM((_D, _D), jnp.float32),
        pltpu.VMEM((_D, _D), jnp.float32),
        pltpu.VMEM((_D,), jnp.float32),
        pltpu.VMEM((64,), jnp.float32),
        pltpu.SemaphoreType.DMA,
        pltpu.SemaphoreType.DMA,
    ],
    compiler_params=pltpu.CompilerParams(
        needs_layout_passes=False,
        disable_bounds_checks=True,
        disable_semaphore_checks=True,
        skip_device_barrier=True,
    ),
)(_body)


def kernel(input_ids, W_emb, W_proj, b_proj):
    out = _sc_call(
        input_ids.astype(jnp.int32),
        W_emb.astype(jnp.float32),
        W_proj.astype(jnp.float32),
        b_proj.astype(jnp.float32),
    )
    return out.reshape(_B, _S, _D)

# --- scband reference (transcript-rebuilt; emitter-appended) ---
"""Pipeline reference for scband-tiny-lm-13151189861144 (READ-ONLY COPY).

The authoritative reference and input builder live on the scoring server;
editing this copy changes nothing except your own understanding.
"""

import jax, jax.numpy as jnp
import numpy as np


def setup_inputs(seed: int = 0) -> dict:
    key = jax.random.key(seed)
    k1, k2, k3, k4 = jax.random.split(key, 4)
    input_ids = jax.random.randint(k1, (4, 8192), 0, 8)
    # learned params: nn.Embedding(8, 8) and nn.Linear(8, 8)
    W_emb = jax.random.normal(k2, (8, 8), dtype=jnp.float32)
    W_proj = jax.random.normal(k3, (8, 8), dtype=jnp.float32) * 0.1
    b_proj = jax.random.normal(k4, (8,), dtype=jnp.float32) * 0.01
    return {"input_ids": input_ids, "W_emb": W_emb, "W_proj": W_proj, "b_proj": b_proj}


def reference(input_ids, W_emb, W_proj, b_proj):
    # hidden = self.embedding(input_ids)
    hidden = jnp.take(W_emb, input_ids, axis=0)          # [B, S, 8]
    # logits = self.proj(hidden)  (torch Linear: x @ W.T + b)
    logits = hidden @ W_proj.T + b_proj                  # [B, S, 8]
    # labels=None -> loss is None; return logits (the forward output tensor)
    return logits

if __name__ == "__main__":
    import jax
    _d = setup_inputs()
    print(jax.jit(kernel)(*tuple(_d.values())))

</pallas_src>

<mosaic_0001>
#map = affine_map<(d0, d1) -> (0, 0)>
#map1 = affine_map<(d0, d1) -> (0)>
module attributes {stable_mosaic.version = 14 : i64} {
  func.func @_body(%arg0: i32, %arg1: i32, %arg2: memref<4x8192xi32, #tpu.memory_space<hbm>>, %arg3: memref<8x8xf32, #tpu.memory_space<hbm>>, %arg4: memref<8x8xf32, #tpu.memory_space<hbm>>, %arg5: memref<8xf32, #tpu.memory_space<hbm>>, %arg6: memref<262144xf32, #tpu.memory_space<hbm>>, %arg7: memref<1024xi32, #tpu.memory_space<vmem>>, %arg8: memref<8192xf32, #tpu.memory_space<vmem>>, %arg9: memref<8x8xf32, #tpu.memory_space<vmem>>, %arg10: memref<8x8xf32, #tpu.memory_space<vmem>>, %arg11: memref<8xf32, #tpu.memory_space<vmem>>, %arg12: memref<64xf32, #tpu.memory_space<vmem>>, %arg13: memref<!tpu.dma_semaphore, #tpu.memory_space<semaphore_mem>>, %arg14: memref<!tpu.dma_semaphore, #tpu.memory_space<semaphore_mem>>) attributes {dimension_semantics = [#tpu.dimension_semantics<core_parallel>, #tpu.dimension_semantics<subcore_parallel>], iteration_bounds = array<i64: 2, 16>, scalar_prefetch = 0 : i64, scratch_operands = 8 : i64, tpu.core_type = #tpu.core_type<sc_vector_subcore>, window_params = [{transform_indices = #map}, {transform_indices = #map}, {transform_indices = #map}, {transform_indices = #map1}, {transform_indices = #map1}]} {
    %mul3A = arith.constant 2 : i32
    %mul3A_0 = arith.muli %arg1, %mul3A : i32
    %add3A = arith.addi %mul3A_0, %arg0 : i32
    %mul3A_1 = arith.constant 1024 : i32
    %mul3A_2 = arith.muli %add3A, %mul3A_1 : i32
    %jit3A = arith.constant 8 : i32
    %div3A = arith.divsi %add3A, %jit3A : i32
    %sign3A = arith.constant 0 : i32
    %sign3A_3 = arith.cmpi sgt, %add3A, %sign3A : i32
    %sign3A_4 = arith.extui %sign3A_3 : i1 to i32
    %sign3A_5 = arith.constant 0 : i32
    %sign3A_6 = arith.cmpi slt, %add3A, %sign3A_5 : i32
    %sign3A_7 = arith.extui %sign3A_6 : i1 to i32
    %sign3A_8 = arith.subi %sign3A_4, %sign3A_7 : i32
    %sign3A_9 = arith.constant 0 : i32
    %sign3A_10 = arith.cmpi sgt, %jit3A, %sign3A_9 : i32
    %sign3A_11 = arith.extui %sign3A_10 : i1 to i32
    %sign3A_12 = arith.constant 0 : i32
    %sign3A_13 = arith.cmpi slt, %jit3A, %sign3A_12 : i32
    %sign3A_14 = arith.extui %sign3A_13 : i1 to i32
    %sign3A_15 = arith.subi %sign3A_11, %sign3A_14 : i32
    %ne3A = arith.cmpi ne, %sign3A_8, %sign3A_15 : i32
    %rem3A = arith.remsi %add3A, %jit3A : i32
    %ne3A_16 = arith.constant 0 : i32
    %ne3A_17 = arith.cmpi ne, %rem3A, %ne3A_16 : i32
    %and3A = arith.andi %ne3A, %ne3A_17 : i1
    %sub3A = arith.constant 1 : i32
    %sub3A_18 = arith.subi %div3A, %sub3A : i32
    %select_n3A = arith.select %and3A, %sub3A_18, %div3A : i32
    %jit3A_19 = arith.constant 8 : i32
    %eq3A = arith.constant 0 : i32
    %eq3A_20 = arith.cmpi eq, %jit3A_19, %eq3A : i32
    %jit3A_21 = arith.constant 1 : i32
    %select_n3A_22 = arith.select %eq3A_20, %jit3A_21, %jit3A_19 : i32
    %rem3A_23 = arith.remsi %add3A, %select_n3A_22 : i32
    %ne3A_24 = arith.constant 0 : i32
    %ne3A_25 = arith.cmpi ne, %rem3A_23, %ne3A_24 : i32
    %lt3A = arith.constant 0 : i32
    %lt3A_26 = arith.cmpi slt, %rem3A_23, %lt3A : i32
    %lt3A_27 = arith.constant 0 : i32
    %lt3A_28 = arith.cmpi slt, %select_n3A_22, %lt3A_27 : i32
    %ne3A_29 = arith.xori %lt3A_26, %lt3A_28 : i1
    %and3A_30 = arith.andi %ne3A_29, %ne3A_25 : i1
    %add3A_31 = arith.addi %rem3A_23, %select_n3A_22 : i32
    %select_n3A_32 = arith.select %and3A_30, %add3A_31, %rem3A_23 : i32
    %mul3A_33 = arith.constant 1024 : i32
    %mul3A_34 = arith.muli %select_n3A_32, %mul3A_33 : i32
    tpu.enqueue_dma source(%arg3 : memref<8x8xf32, #tpu.memory_space<hbm>>) target(%arg9 : memref<8x8xf32, #tpu.memory_space<vmem>>) target_semaphore(%arg14 : memref<!tpu.dma_semaphore, #tpu.memory_space<semaphore_mem>>)
    tpu.enqueue_dma source(%arg4 : memref<8x8xf32, #tpu.memory_space<hbm>>) target(%arg10 : memref<8x8xf32, #tpu.memory_space<vmem>>) target_semaphore(%arg14 : memref<!tpu.dma_semaphore, #tpu.memory_space<semaphore_mem>>)
    tpu.enqueue_dma source(%arg5 : memref<8xf32, #tpu.memory_space<hbm>>) target(%arg11 : memref<8xf32, #tpu.memory_space<vmem>>) target_semaphore(%arg14 : memref<!tpu.dma_semaphore, #tpu.memory_space<semaphore_mem>>)
    %dma_start3A = tpu.memref_slice %arg2[%select_n3A, %mul3A_34] : memref<4x8192xi32, #tpu.memory_space<hbm>> -> memref<1x1024xi32, #tpu.memory_space<hbm>>
    %dma_start3A_35 = tpu.memref_squeeze %dma_start3A : memref<1x1024xi32, #tpu.memory_space<hbm>> -> memref<1024xi32, #tpu.memory_space<hbm>>
    %dma_start3A_36 = tpu.memref_slice %arg2[%select_n3A, %mul3A_34] : memref<4x8192xi32, #tpu.memory_space<hbm>> -> memref<1x1024xi32, #tpu.memory_space<hbm>>
    %dma_start3A_37 = tpu.memref_squeeze %dma_start3A_36 : memref<1x1024xi32, #tpu.memory_space<hbm>> -> memref<1024xi32, #tpu.memory_space<hbm>>
    tpu.enqueue_dma source(%dma_start3A_37 : memref<1024xi32, #tpu.memory_space<hbm>>) target(%arg7 : memref<1024xi32, #tpu.memory_space<vmem>>) target_semaphore(%arg13 : memref<!tpu.dma_semaphore, #tpu.memory_space<semaphore_mem>>)
    tpu.wait_dma2 semaphore(%arg14 : memref<!tpu.dma_semaphore, #tpu.memory_space<semaphore_mem>>) src(%arg3 : memref<8x8xf32, #tpu.memory_space<hbm>>) dst(%arg9 : memref<8x8xf32, #tpu.memory_space<vmem>>)
    tpu.wait_dma2 semaphore(%arg14 : memref<!tpu.dma_semaphore, #tpu.memory_space<semaphore_mem>>) src(%arg4 : memref<8x8xf32, #tpu.memory_space<hbm>>) dst(%arg10 : memref<8x8xf32, #tpu.memory_space<vmem>>)
    tpu.wait_dma2 semaphore(%arg14 : memref<!tpu.dma_semaphore, #tpu.memory_space<semaphore_mem>>) src(%arg5 : memref<8xf32, #tpu.memory_space<hbm>>) dst(%arg11 : memref<8xf32, #tpu.memory_space<vmem>>)
    %iota3A = tpu.iota {dimensions = array<i32: 0>} : vector<16xi32>
    %and3A_38 = arith.constant 7 : i32
    %and3A_39 = vector.broadcast %and3A_38 : i32 to vector<16xi32>
    %and3A_40 = arith.andi %iota3A, %and3A_39 : vector<16xi32>
    %mul3A_41 = arith.constant 8 : i32
    %mul3A_42 = vector.broadcast %mul3A_41 : i32 to vector<16xi32>
    %mul3A_43 = arith.muli %iota3A, %mul3A_42 : vector<16xi32>
    %gather3A = tpu.vector_load_idx %arg11[%and3A_40] : memref<8xf32, #tpu.memory_space<vmem>>[vector<16xi32>], vector<16xf32>,
    %broadcast_in_dim3A = arith.constant 0 : i32
    %broadcast_in_dim3A_44 = vector.broadcast %broadcast_in_dim3A : i32 to vector<16xi32>
    %broadcast_in_dim3A_45 = arith.constant 1 : i32
    %broadcast_in_dim3A_46 = vector.broadcast %broadcast_in_dim3A_45 : i32 to vector<16xi32>
    %broadcast_in_dim3A_47 = arith.constant 2 : i32
    %broadcast_in_dim3A_48 = vector.broadcast %broadcast_in_dim3A_47 : i32 to vector<16xi32>
    %broadcast_in_dim3A_49 = arith.constant 3 : i32
    %broadcast_in_dim3A_50 = vector.broadcast %broadcast_in_dim3A_49 : i32 to vector<16xi32>
    %broadcast_in_dim3A_51 = arith.constant 4 : i32
    %broadcast_in_dim3A_52 = vector.broadcast %broadcast_in_dim3A_51 : i32 to vector<16xi32>
    %broadcast_in_dim3A_53 = arith.constant 5 : i32
    %broadcast_in_dim3A_54 = vector.broadcast %broadcast_in_dim3A_53 : i32 to vector<16xi32>
    %broadcast_in_dim3A_55 = arith.constant 6 : i32
    %broadcast_in_dim3A_56 = vector.broadcast %broadcast_in_dim3A_55 : i32 to vector<16xi32>
    %broadcast_in_dim3A_57 = arith.constant 7 : i32
    %broadcast_in_dim3A_58 = vector.broadcast %broadcast_in_dim3A_57 : i32 to vector<16xi32>
    %gather3A_59 = tpu.vector_load_idx %arg10[%and3A_40, %broadcast_in_dim3A_44] : memref<8x8xf32, #tpu.memory_space<vmem>>[vector<16xi32>, vector<16xi32>], vector<16xf32>,
    %gather3A_60 = tpu.vector_load_idx %arg10[%and3A_40, %broadcast_in_dim3A_46] : memref<8x8xf32, #tpu.memory_space<vmem>>[vector<16xi32>, vector<16xi32>], vector<16xf32>,
    %gather3A_61 = tpu.vector_load_idx %arg10[%and3A_40, %broadcast_in_dim3A_48] : memref<8x8xf32, #tpu.memory_space<vmem>>[vector<16xi32>, vector<16xi32>], vector<16xf32>,
    %gather3A_62 = tpu.vector_load_idx %arg10[%and3A_40, %broadcast_in_dim3A_50] : memref<8x8xf32, #tpu.memory_space<vmem>>[vector<16xi32>, vector<16xi32>], vector<16xf32>,
    %gather3A_63 = tpu.vector_load_idx %arg10[%and3A_40, %broadcast_in_dim3A_52] : memref<8x8xf32, #tpu.memory_space<vmem>>[vector<16xi32>, vector<16xi32>], vector<16xf32>,
    %gather3A_64 = tpu.vector_load_idx %arg10[%and3A_40, %broadcast_in_dim3A_54] : memref<8x8xf32, #tpu.memory_space<vmem>>[vector<16xi32>, vector<16xi32>], vector<16xf32>,
    %gather3A_65 = tpu.vector_load_idx %arg10[%and3A_40, %broadcast_in_dim3A_56] : memref<8x8xf32, #tpu.memory_space<vmem>>[vector<16xi32>, vector<16xi32>], vector<16xf32>,
    %gather3A_66 = tpu.vector_load_idx %arg10[%and3A_40, %broadcast_in_dim3A_58] : memref<8x8xf32, #tpu.memory_space<vmem>>[vector<16xi32>, vector<16xi32>], vector<16xf32>,
    %shift_right_arithmetic3A = arith.constant 3 : i32
    %shift_right_arithmetic3A_67 = vector.broadcast %shift_right_arithmetic3A : i32 to vector<16xi32>
    %shift_right_arithmetic3A_68 = arith.shrsi %iota3A, %shift_right_arithmetic3A_67 : vector<16xi32>
    %add3A_69 = arith.constant 0 : i32
    %add3A_70 = vector.broadcast %add3A_69 : i32 to vector<16xi32>
    %add3A_71 = arith.addi %shift_right_arithmetic3A_68, %add3A_70 : vector<16xi32>
    %gather3A_72 = tpu.vector_load_idx %arg9[%add3A_71, %broadcast_in_dim3A_44] : memref<8x8xf32, #tpu.memory_space<vmem>>[vector<16xi32>, vector<16xi32>], vector<16xf32>,
    %mul3A_73 = arith.mulf %gather3A_72, %gather3A_59 : vector<16xf32>
    %add3A_74 = arith.addf %gather3A, %mul3A_73 : vector<16xf32>
    %gather3A_75 = tpu.vector_load_idx %arg9[%add3A_71, %broadcast_in_dim3A_46] : memref<8x8xf32, #tpu.memory_space<vmem>>[vector<16xi32>, vector<16xi32>], vector<16xf32>,
    %mul3A_76 = arith.mulf %gather3A_75, %gather3A_60 : vector<16xf32>
    %add3A_77 = arith.addf %add3A_74, %mul3A_76 : vector<16xf32>
    %gather3A_78 = tpu.vector_load_idx %arg9[%add3A_71, %broadcast_in_dim3A_48] : memref<8x8xf32, #tpu.memory_space<vmem>>[vector<16xi32>, vector<16xi32>], vector<16xf32>,
    %mul3A_79 = arith.mulf %gather3A_78, %gather3A_61 : vector<16xf32>
    %add3A_80 = arith.addf %add3A_77, %mul3A_79 : vector<16xf32>
    %gather3A_81 = tpu.vector_load_idx %arg9[%add3A_71, %broadcast_in_dim3A_50] : memref<8x8xf32, #tpu.memory_space<vmem>>[vector<16xi32>, vector<16xi32>], vector<16xf32>,
    %mul3A_82 = arith.mulf %gather3A_81, %gather3A_62 : vector<16xf32>
    %add3A_83 = arith.addf %add3A_80, %mul3A_82 : vector<16xf32>
    %gather3A_84 = tpu.vector_load_idx %arg9[%add3A_71, %broadcast_in_dim3A_52] : memref<8x8xf32, #tpu.memory_space<vmem>>[vector<16xi32>, vector<16xi32>], vector<16xf32>,
    %mul3A_85 = arith.mulf %gather3A_84, %gather3A_63 : vector<16xf32>
    %add3A_86 = arith.addf %add3A_83, %mul3A_85 : vector<16xf32>
    %gather3A_87 = tpu.vector_load_idx %arg9[%add3A_71, %broadcast_in_dim3A_54] : memref<8x8xf32, #tpu.memory_space<vmem>>[vector<16xi32>, vector<16xi32>], vector<16xf32>,
    %mul3A_88 = arith.mulf %gather3A_87, %gather3A_64 : vector<16xf32>
    %add3A_89 = arith.addf %add3A_86, %mul3A_88 : vector<16xf32>
    %gather3A_90 = tpu.vector_load_idx %arg9[%add3A_71, %broadcast_in_dim3A_56] : memref<8x8xf32, #tpu.memory_space<vmem>>[vector<16xi32>, vector<16xi32>], vector<16xf32>,
    %mul3A_91 = arith.mulf %gather3A_90, %gather3A_65 : vector<16xf32>
    %add3A_92 = arith.addf %add3A_89, %mul3A_91 : vector<16xf32>
    %gather3A_93 = tpu.vector_load_idx %arg9[%add3A_71, %broadcast_in_dim3A_58] : memref<8x8xf32, #tpu.memory_space<vmem>>[vector<16xi32>, vector<16xi32>], vector<16xf32>,
    %mul3A_94 = arith.mulf %gather3A_93, %gather3A_66 : vector<16xf32>
    %add3A_95 = arith.addf %add3A_92, %mul3A_94 : vector<16xf32>
    %swap3A = arith.constant 0 : index
    %swap3A_96 = tpu.vector_load %arg12[%swap3A] {strides = array<i32>} : memref<64xf32, #tpu.memory_space<vmem>>, vector<16xf32>,
    tpu.vector_store %arg12[%swap3A], %add3A_95 {strides = array<i32>} : memref<64xf32, #tpu.memory_space<vmem>>, vector<16xf32>,
    %shift_right_arithmetic3A_97 = arith.constant 3 : i32
    %shift_right_arithmetic3A_98 = vector.broadcast %shift_right_arithmetic3A_97 : i32 to vector<16xi32>
    %shift_right_arithmetic3A_99 = arith.shrsi %iota3A, %shift_right_arithmetic3A_98 : vector<16xi32>
    %add3A_100 = arith.constant 2 : i32
    %add3A_101 = vector.broadcast %add3A_100 : i32 to vector<16xi32>
    %add3A_102 = arith.addi %shift_right_arithmetic3A_99, %add3A_101 : vector<16xi32>
    %gather3A_103 = tpu.vector_load_idx %arg9[%add3A_102, %broadcast_in_dim3A_44] : memref<8x8xf32, #tpu.memory_space<vmem>>[vector<16xi32>, vector<16xi32>], vector<16xf32>,
    %mul3A_104 = arith.mulf %gather3A_103, %gather3A_59 : vector<16xf32>
    %add3A_105 = arith.addf %gather3A, %mul3A_104 : vector<16xf32>
    %gather3A_106 = tpu.vector_load_idx %arg9[%add3A_102, %broadcast_in_dim3A_46] : memref<8x8xf32, #tpu.memory_space<vmem>>[vector<16xi32>, vector<16xi32>], vector<16xf32>,
    %mul3A_107 = arith.mulf %gather3A_106, %gather3A_60 : vector<16xf32>
    %add3A_108 = arith.addf %add3A_105, %mul3A_107 : vector<16xf32>
    %gather3A_109 = tpu.vector_load_idx %arg9[%add3A_102, %broadcast_in_dim3A_48] : memref<8x8xf32, #tpu.memory_space<vmem>>[vector<16xi32>, vector<16xi32>], vector<16xf32>,
    %mul3A_110 = arith.mulf %gather3A_109, %gather3A_61 : vector<16xf32>
    %add3A_111 = arith.addf %add3A_108, %mul3A_110 : vector<16xf32>
    %gather3A_112 = tpu.vector_load_idx %arg9[%add3A_102, %broadcast_in_dim3A_50] : memref<8x8xf32, #tpu.memory_space<vmem>>[vector<16xi32>, vector<16xi32>], vector<16xf32>,
    %mul3A_113 = arith.mulf %gather3A_112, %gather3A_62 : vector<16xf32>
    %add3A_114 = arith.addf %add3A_111, %mul3A_113 : vector<16xf32>
    %gather3A_115 = tpu.vector_load_idx %arg9[%add3A_102, %broadcast_in_dim3A_52] : memref<8x8xf32, #tpu.memory_space<vmem>>[vector<16xi32>, vector<16xi32>], vector<16xf32>,
    %mul3A_116 = arith.mulf %gather3A_115, %gather3A_63 : vector<16xf32>
    %add3A_117 = arith.addf %add3A_114, %mul3A_116 : vector<16xf32>
    %gather3A_118 = tpu.vector_load_idx %arg9[%add3A_102, %broadcast_in_dim3A_54] : memref<8x8xf32, #tpu.memory_space<vmem>>[vector<16xi32>, vector<16xi32>], vector<16xf32>,
    %mul3A_119 = arith.mulf %gather3A_118, %gather3A_64 : vector<16xf32>
    %add3A_120 = arith.addf %add3A_117, %mul3A_119 : vector<16xf32>
    %gather3A_121 = tpu.vector_load_idx %arg9[%add3A_102, %broadcast_in_dim3A_56] : memref<8x8xf32, #tpu.memory_space<vmem>>[vector<16xi32>, vector<16xi32>], vector<16xf32>,
    %mul3A_122 = arith.mulf %gather3A_121, %gather3A_65 : vector<16xf32>
    %add3A_123 = arith.addf %add3A_120, %mul3A_122 : vector<16xf32>
    %gather3A_124 = tpu.vector_load_idx %arg9[%add3A_102, %broadcast_in_dim3A_58] : memref<8x8xf32, #tpu.memory_space<vmem>>[vector<16xi32>, vector<16xi32>], vector<16xf32>,
    %mul3A_125 = arith.mulf %gather3A_124, %gather3A_66 : vector<16xf32>
    %add3A_126 = arith.addf %add3A_123, %mul3A_125 : vector<16xf32>
    %swap3A_127 = arith.constant 16 : index
    %swap3A_128 = tpu.vector_load %arg12[%swap3A_127] {strides = array<i32>} : memref<64xf32, #tpu.memory_space<vmem>>, vector<16xf32>,
    tpu.vector_store %arg12[%swap3A_127], %add3A_126 {strides = array<i32>} : memref<64xf32, #tpu.memory_space<vmem>>, vector<16xf32>,
    %shift_right_arithmetic3A_129 = arith.constant 3 : i32
    %shift_right_arithmetic3A_130 = vector.broadcast %shift_right_arithmetic3A_129 : i32 to vector<16xi32>
    %shift_right_arithmetic3A_131 = arith.shrsi %iota3A, %shift_right_arithmetic3A_130 : vector<16xi32>
    %add3A_132 = arith.constant 4 : i32
    %add3A_133 = vector.broadcast %add3A_132 : i32 to vector<16xi32>
    %add3A_134 = arith.addi %shift_right_arithmetic3A_131, %add3A_133 : vector<16xi32>
    %gather3A_135 = tpu.vector_load_idx %arg9[%add3A_134, %broadcast_in_dim3A_44] : memref<8x8xf32, #tpu.memory_space<vmem>>[vector<16xi32>, vector<16xi32>], vector<16xf32>,
    %mul3A_136 = arith.mulf %gather3A_135, %gather3A_59 : vector<16xf32>
    %add3A_137 = arith.addf %gather3A, %mul3A_136 : vector<16xf32>
    %gather3A_138 = tpu.vector_load_idx %arg9[%add3A_134, %broadcast_in_dim3A_46] : memref<8x8xf32, #tpu.memory_space<vmem>>[vector<16xi32>, vector<16xi32>], vector<16xf32>,
    %mul3A_139 = arith.mulf %gather3A_138, %gather3A_60 : vector<16xf32>
    %add3A_140 = arith.addf %add3A_137, %mul3A_139 : vector<16xf32>
    %gather3A_141 = tpu.vector_load_idx %arg9[%add3A_134, %broadcast_in_dim3A_48] : memref<8x8xf32, #tpu.memory_space<vmem>>[vector<16xi32>, vector<16xi32>], vector<16xf32>,
    %mul3A_142 = arith.mulf %gather3A_141, %gather3A_61 : vector<16xf32>
    %add3A_143 = arith.addf %add3A_140, %mul3A_142 : vector<16xf32>
    %gather3A_144 = tpu.vector_load_idx %arg9[%add3A_134, %broadcast_in_dim3A_50] : memref<8x8xf32, #tpu.memory_space<vmem>>[vector<16xi32>, vector<16xi32>], vector<16xf32>,
    %mul3A_145 = arith.mulf %gather3A_144, %gather3A_62 : vector<16xf32>
    %add3A_146 = arith.addf %add3A_143, %mul3A_145 : vector<16xf32>
    %gather3A_147 = tpu.vector_load_idx %arg9[%add3A_134, %broadcast_in_dim3A_52] : memref<8x8xf32, #tpu.memory_space<vmem>>[vector<16xi32>, vector<16xi32>], vector<16xf32>,
    %mul3A_148 = arith.mulf %gather3A_147, %gather3A_63 : vector<16xf32>
    %add3A_149 = arith.addf %add3A_146, %mul3A_148 : vector<16xf32>
    %gather3A_150 = tpu.vector_load_idx %arg9[%add3A_134, %broadcast_in_dim3A_54] : memref<8x8xf32, #tpu.memory_space<vmem>>[vector<16xi32>, vector<16xi32>], vector<16xf32>,
    %mul3A_151 = arith.mulf %gather3A_150, %gather3A_64 : vector<16xf32>
    %add3A_152 = arith.addf %add3A_149, %mul3A_151 : vector<16xf32>
    %gather3A_153 = tpu.vector_load_idx %arg9[%add3A_134, %broadcast_in_dim3A_56] : memref<8x8xf32, #tpu.memory_space<vmem>>[vector<16xi32>, vector<16xi32>], vector<16xf32>,
    %mul3A_154 = arith.mulf %gather3A_153, %gather3A_65 : vector<16xf32>
    %add3A_155 = arith.addf %add3A_152, %mul3A_154 : vector<16xf32>
    %gather3A_156 = tpu.vector_load_idx %arg9[%add3A_134, %broadcast_in_dim3A_58] : memref<8x8xf32, #tpu.memory_space<vmem>>[vector<16xi32>, vector<16xi32>], vector<16xf32>,
    %mul3A_157 = arith.mulf %gather3A_156, %gather3A_66 : vector<16xf32>
    %add3A_158 = arith.addf %add3A_155, %mul3A_157 : vector<16xf32>
    %swap3A_159 = arith.constant 32 : index
    %swap3A_160 = tpu.vector_load %arg12[%swap3A_159] {strides = array<i32>} : memref<64xf32, #tpu.memory_space<vmem>>, vector<16xf32>,
    tpu.vector_store %arg12[%swap3A_159], %add3A_158 {strides = array<i32>} : memref<64xf32, #tpu.memory_space<vmem>>, vector<16xf32>,
    %shift_right_arithmetic3A_161 = arith.constant 3 : i32
    %shift_right_arithmetic3A_162 = vector.broadcast %shift_right_arithmetic3A_161 : i32 to vector<16xi32>
    %shift_right_arithmetic3A_163 = arith.shrsi %iota3A, %shift_right_arithmetic3A_162 : vector<16xi32>
    %add3A_164 = arith.constant 6 : i32
    %add3A_165 = vector.broadcast %add3A_164 : i32 to vector<16xi32>
    %add3A_166 = arith.addi %shift_right_arithmetic3A_163, %add3A_165 : vector<16xi32>
    %gather3A_167 = tpu.vector_load_idx %arg9[%add3A_166, %broadcast_in_dim3A_44] : memref<8x8xf32, #tpu.memory_space<vmem>>[vector<16xi32>, vector<16xi32>], vector<16xf32>,
    %mul3A_168 = arith.mulf %gather3A_167, %gather3A_59 : vector<16xf32>
    %add3A_169 = arith.addf %gather3A, %mul3A_168 : vector<16xf32>
    %gather3A_170 = tpu.vector_load_idx %arg9[%add3A_166, %broadcast_in_dim3A_46] : memref<8x8xf32, #tpu.memory_space<vmem>>[vector<16xi32>, vector<16xi32>], vector<16xf32>,
    %mul3A_171 = arith.mulf %gather3A_170, %gather3A_60 : vector<16xf32>
    %add3A_172 = arith.addf %add3A_169, %mul3A_171 : vector<16xf32>
    %gather3A_173 = tpu.vector_load_idx %arg9[%add3A_166, %broadcast_in_dim3A_48] : memref<8x8xf32, #tpu.memory_space<vmem>>[vector<16xi32>, vector<16xi32>], vector<16xf32>,
    %mul3A_174 = arith.mulf %gather3A_173, %gather3A_61 : vector<16xf32>
    %add3A_175 = arith.addf %add3A_172, %mul3A_174 : vector<16xf32>
    %gather3A_176 = tpu.vector_load_idx %arg9[%add3A_166, %broadcast_in_dim3A_50] : memref<8x8xf32, #tpu.memory_space<vmem>>[vector<16xi32>, vector<16xi32>], vector<16xf32>,
    %mul3A_177 = arith.mulf %gather3A_176, %gather3A_62 : vector<16xf32>
    %add3A_178 = arith.addf %add3A_175, %mul3A_177 : vector<16xf32>
    %gather3A_179 = tpu.vector_load_idx %arg9[%add3A_166, %broadcast_in_dim3A_52] : memref<8x8xf32, #tpu.memory_space<vmem>>[vector<16xi32>, vector<16xi32>], vector<16xf32>,
    %mul3A_180 = arith.mulf %gather3A_179, %gather3A_63 : vector<16xf32>
    %add3A_181 = arith.addf %add3A_178, %mul3A_180 : vector<16xf32>
    %gather3A_182 = tpu.vector_load_idx %arg9[%add3A_166, %broadcast_in_dim3A_54] : memref<8x8xf32, #tpu.memory_space<vmem>>[vector<16xi32>, vector<16xi32>], vector<16xf32>,
    %mul3A_183 = arith.mulf %gather3A_182, %gather3A_64 : vector<16xf32>
    %add3A_184 = arith.addf %add3A_181, %mul3A_183 : vector<16xf32>
    %gather3A_185 = tpu.vector_load_idx %arg9[%add3A_166, %broadcast_in_dim3A_56] : memref<8x8xf32, #tpu.memory_space<vmem>>[vector<16xi32>, vector<16xi32>], vector<16xf32>,
    %mul3A_186 = arith.mulf %gather3A_185, %gather3A_65 : vector<16xf32>
    %add3A_187 = arith.addf %add3A_184, %mul3A_186 : vector<16xf32>
    %gather3A_188 = tpu.vector_load_idx %arg9[%add3A_166, %broadcast_in_dim3A_58] : memref<8x8xf32, #tpu.memory_space<vmem>>[vector<16xi32>, vector<16xi32>], vector<16xf32>,
    %mul3A_189 = arith.mulf %gather3A_188, %gather3A_66 : vector<16xf32>
    %add3A_190 = arith.addf %add3A_187, %mul3A_189 : vector<16xf32>
    %swap3A_191 = arith.constant 48 : index
    %swap3A_192 = tpu.vector_load %arg12[%swap3A_191] {strides = array<i32>} : memref<64xf32, #tpu.memory_space<vmem>>, vector<16xf32>,
    tpu.vector_store %arg12[%swap3A_191], %add3A_190 {strides = array<i32>} : memref<64xf32, #tpu.memory_space<vmem>>, vector<16xf32>,
    %dma_wait3A = tpu.memref_slice %arg2[%select_n3A, %mul3A_34] : memref<4x8192xi32, #tpu.memory_space<hbm>> -> memref<1x1024xi32, #tpu.memory_space<hbm>>
    %dma_wait3A_193 = tpu.memref_squeeze %dma_wait3A : memref<1x1024xi32, #tpu.memory_space<hbm>> -> memref<1024xi32, #tpu.memory_space<hbm>>
    %dma_wait3A_194 = tpu.memref_slice %arg2[%select_n3A, %mul3A_34] : memref<4x8192xi32, #tpu.memory_space<hbm>> -> memref<1x1024xi32, #tpu.memory_space<hbm>>
    %dma_wait3A_195 = tpu.memref_squeeze %dma_wait3A_194 : memref<1x1024xi32, #tpu.memory_space<hbm>> -> memref<1024xi32, #tpu.memory_space<hbm>>
    tpu.wait_dma2 semaphore(%arg13 : memref<!tpu.dma_semaphore, #tpu.memory_space<semaphore_mem>>) src(%dma_wait3A_195 : memref<1024xi32, #tpu.memory_space<hbm>>) dst(%arg7 : memref<1024xi32, #tpu.memory_space<vmem>>)
    %parallel_loop3A = arith.constant 0 : i32
    %parallel_loop3A_196 = arith.constant 32 : i32
    %parallel_loop3A_197 = arith.constant 1 : i32
    scf.for %parallel_loop3A_233 = %parallel_loop3A to %parallel_loop3A_196 step %parallel_loop3A_197  : i32 {
      %parallel_loop3A_234 = arith.constant 16 : i32
      %parallel_loop3A_235 = arith.muli %parallel_loop3A_233, %parallel_loop3A_234 : i32
      %parallel_loop3A_236 = arith.index_cast %parallel_loop3A_235 : i32 to index
      %parallel_loop3A_237 = tpu.vector_load %arg7[%parallel_loop3A_236] {strides = array<i32>} : memref<1024xi32, #tpu.memory_space<vmem>>, vector<16xi32>,
      %parallel_loop3A_238 = arith.constant 8 : i32
      %parallel_loop3A_239 = vector.broadcast %parallel_loop3A_238 : i32 to vector<16xi32>
      %parallel_loop3A_240 = arith.muli %parallel_loop3A_237, %parallel_loop3A_239 : vector<16xi32>
      %parallel_loop3A_241 = arith.constant 128 : i32
      %parallel_loop3A_242 = arith.muli %parallel_loop3A_233, %parallel_loop3A_241 : i32
      %parallel_loop3A_243 = vector.broadcast %parallel_loop3A_242 : i32 to vector<16xi32>
      %parallel_loop3A_244 = arith.addi %parallel_loop3A_243, %mul3A_43 : vector<16xi32>
      %parallel_loop3A_245 = arith.constant 0 : i32
      %parallel_loop3A_246 = vector.broadcast %parallel_loop3A_245 : i32 to vector<16xi32>
      %parallel_loop3A_247 = arith.addi %parallel_loop3A_240, %parallel_loop3A_246 : vector<16xi32>
      %parallel_loop3A_248 = tpu.vector_load_idx %arg12[%parallel_loop3A_247] : memref<64xf32, #tpu.memory_space<vmem>>[vector<16xi32>], vector<16xf32>,
      %parallel_loop3A_249 = arith.constant 0 : i32
      %parallel_loop3A_250 = vector.broadcast %parallel_loop3A_249 : i32 to vector<16xi32>
      %parallel_loop3A_251 = arith.addi %parallel_loop3A_244, %parallel_loop3A_250 : vector<16xi32>
      tpu.vector_store_idx %arg8[%parallel_loop3A_251], %parallel_loop3A_248 : memref<8192xf32, #tpu.memory_space<vmem>>[vector<16xi32>], vector<16xf32>,
      %parallel_loop3A_252 = arith.constant 1 : i32
      %parallel_loop3A_253 = vector.broadcast %parallel_loop3A_252 : i32 to vector<16xi32>
      %parallel_loop3A_254 = arith.addi %parallel_loop3A_240, %parallel_loop3A_253 : vector<16xi32>
      %parallel_loop3A_255 = tpu.vector_load_idx %arg12[%parallel_loop3A_254] : memref<64xf32, #tpu.memory_space<vmem>>[vector<16xi32>], vector<16xf32>,
      %parallel_loop3A_256 = arith.constant 1 : i32
      %parallel_loop3A_257 = vector.broadcast %parallel_loop3A_256 : i32 to vector<16xi32>
      %parallel_loop3A_258 = arith.addi %parallel_loop3A_244, %parallel_loop3A_257 : vector<16xi32>
      tpu.vector_store_idx %arg8[%parallel_loop3A_258], %parallel_loop3A_255 : memref<8192xf32, #tpu.memory_space<vmem>>[vector<16xi32>], vector<16xf32>,
      %parallel_loop3A_259 = arith.constant 2 : i32
      %parallel_loop3A_260 = vector.broadcast %parallel_loop3A_259 : i32 to vector<16xi32>
      %parallel_loop3A_261 = arith.addi %parallel_loop3A_240, %parallel_loop3A_260 : vector<16xi32>
      %parallel_loop3A_262 = tpu.vector_load_idx %arg12[%parallel_loop3A_261] : memref<64xf32, #tpu.memory_space<vmem>>[vector<16xi32>], vector<16xf32>,
      %parallel_loop3A_263 = arith.constant 2 : i32
      %parallel_loop3A_264 = vector.broadcast %parallel_loop3A_263 : i32 to vector<16xi32>
      %parallel_loop3A_265 = arith.addi %parallel_loop3A_244, %parallel_loop3A_264 : vector<16xi32>
      tpu.vector_store_idx %arg8[%parallel_loop3A_265], %parallel_loop3A_262 : memref<8192xf32, #tpu.memory_space<vmem>>[vector<16xi32>], vector<16xf32>,
      %parallel_loop3A_266 = arith.constant 3 : i32
      %parallel_loop3A_267 = vector.broadcast %parallel_loop3A_266 : i32 to vector<16xi32>
      %parallel_loop3A_268 = arith.addi %parallel_loop3A_240, %parallel_loop3A_267 : vector<16xi32>
      %parallel_loop3A_269 = tpu.vector_load_idx %arg12[%parallel_loop3A_268] : memref<64xf32, #tpu.memory_space<vmem>>[vector<16xi32>], vector<16xf32>,
      %parallel_loop3A_270 = arith.constant 3 : i32
      %parallel_loop3A_271 = vector.broadcast %parallel_loop3A_270 : i32 to vector<16xi32>
      %parallel_loop3A_272 = arith.addi %parallel_loop3A_244, %parallel_loop3A_271 : vector<16xi32>
      tpu.vector_store_idx %arg8[%parallel_loop3A_272], %parallel_loop3A_269 : memref<8192xf32, #tpu.memory_space<vmem>>[vector<16xi32>], vector<16xf32>,
      %parallel_loop3A_273 = arith.constant 4 : i32
      %parallel_loop3A_274 = vector.broadcast %parallel_loop3A_273 : i32 to vector<16xi32>
      %parallel_loop3A_275 = arith.addi %parallel_loop3A_240, %parallel_loop3A_274 : vector<16xi32>
      %parallel_loop3A_276 = tpu.vector_load_idx %arg12[%parallel_loop3A_275] : memref<64xf32, #tpu.memory_space<vmem>>[vector<16xi32>], vector<16xf32>,
      %parallel_loop3A_277 = arith.constant 4 : i32
      %parallel_loop3A_278 = vector.broadcast %parallel_loop3A_277 : i32 to vector<16xi32>
      %parallel_loop3A_279 = arith.addi %parallel_loop3A_244, %parallel_loop3A_278 : vector<16xi32>
      tpu.vector_store_idx %arg8[%parallel_loop3A_279], %parallel_loop3A_276 : memref<8192xf32, #tpu.memory_space<vmem>>[vector<16xi32>], vector<16xf32>,
      %parallel_loop3A_280 = arith.constant 5 : i32
      %parallel_loop3A_281 = vector.broadcast %parallel_loop3A_280 : i32 to vector<16xi32>
      %parallel_loop3A_282 = arith.addi %parallel_loop3A_240, %parallel_loop3A_281 : vector<16xi32>
      %parallel_loop3A_283 = tpu.vector_load_idx %arg12[%parallel_loop3A_282] : memref<64xf32, #tpu.memory_space<vmem>>[vector<16xi32>], vector<16xf32>,
      %parallel_loop3A_284 = arith.constant 5 : i32
      %parallel_loop3A_285 = vector.broadcast %parallel_loop3A_284 : i32 to vector<16xi32>
      %parallel_loop3A_286 = arith.addi %parallel_loop3A_244, %parallel_loop3A_285 : vector<16xi32>
      tpu.vector_store_idx %arg8[%parallel_loop3A_286], %parallel_loop3A_283 : memref<8192xf32, #tpu.memory_space<vmem>>[vector<16xi32>], vector<16xf32>,
      %parallel_loop3A_287 = arith.constant 6 : i32
      %parallel_loop3A_288 = vector.broadcast %parallel_loop3A_287 : i32 to vector<16xi32>
      %parallel_loop3A_289 = arith.addi %parallel_loop3A_240, %parallel_loop3A_288 : vector<16xi32>
      %parallel_loop3A_290 = tpu.vector_load_idx %arg12[%parallel_loop3A_289] : memref<64xf32, #tpu.memory_space<vmem>>[vector<16xi32>], vector<16xf32>,
      %parallel_loop3A_291 = arith.constant 6 : i32
      %parallel_loop3A_292 = vector.broadcast %parallel_loop3A_291 : i32 to vector<16xi32>
      %parallel_loop3A_293 = arith.addi %parallel_loop3A_244, %parallel_loop3A_292 : vector<16xi32>
      tpu.vector_store_idx %arg8[%parallel_loop3A_293], %parallel_loop3A_290 : memref<8192xf32, #tpu.memory_space<vmem>>[vector<16xi32>], vector<16xf32>,
      %parallel_loop3A_294 = arith.constant 7 : i32
      %parallel_loop3A_295 = vector.broadcast %parallel_loop3A_294 : i32 to vector<16xi32>
      %parallel_loop3A_296 = arith.addi %parallel_loop3A_240, %parallel_loop3A_295 : vector<16xi32>
      %parallel_loop3A_297 = tpu.vector_load_idx %arg12[%parallel_loop3A_296] : memref<64xf32, #tpu.memory_space<vmem>>[vector<16xi32>], vector<16xf32>,
      %parallel_loop3A_298 = arith.constant 7 : i32
      %parallel_loop3A_299 = vector.broadcast %parallel_loop3A_298 : i32 to vector<16xi32>
      %parallel_loop3A_300 = arith.addi %parallel_loop3A_244, %parallel_loop3A_299 : vector<16xi32>
      tpu.vector_store_idx %arg8[%parallel_loop3A_300], %parallel_loop3A_297 : memref<8192xf32, #tpu.memory_space<vmem>>[vector<16xi32>], vector<16xf32>,
    } {sc.loop_unroll_factor = 2 : i64, sc.parallel_access}
    %mul3A_198 = arith.constant 8 : i32
    %mul3A_199 = arith.muli %mul3A_2, %mul3A_198 : i32
    %add3A_200 = arith.constant 0 : i32
    %add3A_201 = arith.addi %mul3A_199, %add3A_200 : i32
    %dma_start3A_202 = arith.constant 0 : i32
    %dma_start3A_203 = tpu.memref_slice %arg8[%dma_start3A_202] : memref<8192xf32, #tpu.memory_space<vmem>> -> memref<4096xf32, #tpu.memory_space<vmem>>
    %dma_start3A_204 = tpu.memref_slice %arg6[%add3A_201] : memref<262144xf32, #tpu.memory_space<hbm>> -> memref<4096xf32, #tpu.memory_space<hbm>>
    %dma_start3A_205 = tpu.memref_slice %arg6[%add3A_201] : memref<262144xf32, #tpu.memory_space<hbm>> -> memref<4096xf32, #tpu.memory_space<hbm>>
    %dma_start3A_206 = arith.constant 0 : i32
    %dma_start3A_207 = tpu.memref_slice %arg8[%dma_start3A_206] : memref<8192xf32, #tpu.memory_space<vmem>> -> memref<4096xf32, #tpu.memory_space<vmem>>
    tpu.enqueue_dma source(%dma_start3A_207 : memref<4096xf32, #tpu.memory_space<vmem>>) target(%dma_start3A_205 : memref<4096xf32, #tpu.memory_space<hbm>>) target_semaphore(%arg13 : memref<!tpu.dma_semaphore, #tpu.memory_space<semaphore_mem>>)
    %parallel_loop3A_208 = arith.constant 32 : i32
    %parallel_loop3A_209 = arith.constant 64 : i32
    %parallel_loop3A_210 = arith.constant 1 : i32
    scf.for %parallel_loop3A_233 = %parallel_loop3A_208 to %parallel_loop3A_209 step %parallel_loop3A_210  : i32 {
      %parallel_loop3A_234 = arith.constant 16 : i32
      %parallel_loop3A_235 = arith.muli %parallel_loop3A_233, %parallel_loop3A_234 : i32
      %parallel_loop3A_236 = arith.index_cast %parallel_loop3A_235 : i32 to index
      %parallel_loop3A_237 = tpu.vector_load %arg7[%parallel_loop3A_236] {strides = array<i32>} : memref<1024xi32, #tpu.memory_space<vmem>>, vector<16xi32>,
      %parallel_loop3A_238 = arith.constant 8 : i32
      %parallel_loop3A_239 = vector.broadcast %parallel_loop3A_238 : i32 to vector<16xi32>
      %parallel_loop3A_240 = arith.muli %parallel_loop3A_237, %parallel_loop3A_239 : vector<16xi32>
      %parallel_loop3A_241 = arith.constant 128 : i32
      %parallel_loop3A_242 = arith.muli %parallel_loop3A_233, %parallel_loop3A_241 : i32
      %parallel_loop3A_243 = vector.broadcast %parallel_loop3A_242 : i32 to vector<16xi32>
      %parallel_loop3A_244 = arith.addi %parallel_loop3A_243, %mul3A_43 : vector<16xi32>
      %parallel_loop3A_245 = arith.constant 0 : i32
      %parallel_loop3A_246 = vector.broadcast %parallel_loop3A_245 : i32 to vector<16xi32>
      %parallel_loop3A_247 = arith.addi %parallel_loop3A_240, %parallel_loop3A_246 : vector<16xi32>
      %parallel_loop3A_248 = tpu.vector_load_idx %arg12[%parallel_loop3A_247] : memref<64xf32, #tpu.memory_space<vmem>>[vector<16xi32>], vector<16xf32>,
      %parallel_loop3A_249 = arith.constant 0 : i32
      %parallel_loop3A_250 = vector.broadcast %parallel_loop3A_249 : i32 to vector<16xi32>
      %parallel_loop3A_251 = arith.addi %parallel_loop3A_244, %parallel_loop3A_250 : vector<16xi32>
      tpu.vector_store_idx %arg8[%parallel_loop3A_251], %parallel_loop3A_248 : memref<8192xf32, #tpu.memory_space<vmem>>[vector<16xi32>], vector<16xf32>,
      %parallel_loop3A_252 = arith.constant 1 : i32
      %parallel_loop3A_253 = vector.broadcast %parallel_loop3A_252 : i32 to vector<16xi32>
      %parallel_loop3A_254 = arith.addi %parallel_loop3A_240, %parallel_loop3A_253 : vector<16xi32>
      %parallel_loop3A_255 = tpu.vector_load_idx %arg12[%parallel_loop3A_254] : memref<64xf32, #tpu.memory_space<vmem>>[vector<16xi32>], vector<16xf32>,
      %parallel_loop3A_256 = arith.constant 1 : i32
      %parallel_loop3A_257 = vector.broadcast %parallel_loop3A_256 : i32 to vector<16xi32>
      %parallel_loop3A_258 = arith.addi %parallel_loop3A_244, %parallel_loop3A_257 : vector<16xi32>
      tpu.vector_store_idx %arg8[%parallel_loop3A_258], %parallel_loop3A_255 : memref<8192xf32, #tpu.memory_space<vmem>>[vector<16xi32>], vector<16xf32>,
      %parallel_loop3A_259 = arith.constant 2 : i32
      %parallel_loop3A_260 = vector.broadcast %parallel_loop3A_259 : i32 to vector<16xi32>
      %parallel_loop3A_261 = arith.addi %parallel_loop3A_240, %parallel_loop3A_260 : vector<16xi32>
      %parallel_loop3A_262 = tpu.vector_load_idx %arg12[%parallel_loop3A_261] : memref<64xf32, #tpu.memory_space<vmem>>[vector<16xi32>], vector<16xf32>,
      %parallel_loop3A_263 = arith.constant 2 : i32
      %parallel_loop3A_264 = vector.broadcast %parallel_loop3A_263 : i32 to vector<16xi32>
      %parallel_loop3A_265 = arith.addi %parallel_loop3A_244, %parallel_loop3A_264 : vector<16xi32>
      tpu.vector_store_idx %arg8[%parallel_loop3A_265], %parallel_loop3A_262 : memref<8192xf32, #tpu.memory_space<vmem>>[vector<16xi32>], vector<16xf32>,
      %parallel_loop3A_266 = arith.constant 3 : i32
      %parallel_loop3A_267 = vector.broadcast %parallel_loop3A_266 : i32 to vector<16xi32>
      %parallel_loop3A_268 = arith.addi %parallel_loop3A_240, %parallel_loop3A_267 : vector<16xi32>
      %parallel_loop3A_269 = tpu.vector_load_idx %arg12[%parallel_loop3A_268] : memref<64xf32, #tpu.memory_space<vmem>>[vector<16xi32>], vector<16xf32>,
      %parallel_loop3A_270 = arith.constant 3 : i32
      %parallel_loop3A_271 = vector.broadcast %parallel_loop3A_270 : i32 to vector<16xi32>
      %parallel_loop3A_272 = arith.addi %parallel_loop3A_244, %parallel_loop3A_271 : vector<16xi32>
      tpu.vector_store_idx %arg8[%parallel_loop3A_272], %parallel_loop3A_269 : memref<8192xf32, #tpu.memory_space<vmem>>[vector<16xi32>], vector<16xf32>,
      %parallel_loop3A_273 = arith.constant 4 : i32
      %parallel_loop3A_274 = vector.broadcast %parallel_loop3A_273 : i32 to vector<16xi32>
      %parallel_loop3A_275 = arith.addi %parallel_loop3A_240, %parallel_loop3A_274 : vector<16xi32>
      %parallel_loop3A_276 = tpu.vector_load_idx %arg12[%parallel_loop3A_275] : memref<64xf32, #tpu.memory_space<vmem>>[vector<16xi32>], vector<16xf32>,
      %parallel_loop3A_277 = arith.constant 4 : i32
      %parallel_loop3A_278 = vector.broadcast %parallel_loop3A_277 : i32 to vector<16xi32>
      %parallel_loop3A_279 = arith.addi %parallel_loop3A_244, %parallel_loop3A_278 : vector<16xi32>
      tpu.vector_store_idx %arg8[%parallel_loop3A_279], %parallel_loop3A_276 : memref<8192xf32, #tpu.memory_space<vmem>>[vector<16xi32>], vector<16xf32>,
      %parallel_loop3A_280 = arith.constant 5 : i32
      %parallel_loop3A_281 = vector.broadcast %parallel_loop3A_280 : i32 to vector<16xi32>
      %parallel_loop3A_282 = arith.addi %parallel_loop3A_240, %parallel_loop3A_281 : vector<16xi32>
      %parallel_loop3A_283 = tpu.vector_load_idx %arg12[%parallel_loop3A_282] : memref<64xf32, #tpu.memory_space<vmem>>[vector<16xi32>], vector<16xf32>,
      %parallel_loop3A_284 = arith.constant 5 : i32
      %parallel_loop3A_285 = vector.broadcast %parallel_loop3A_284 : i32 to vector<16xi32>
      %parallel_loop3A_286 = arith.addi %parallel_loop3A_244, %parallel_loop3A_285 : vector<16xi32>
      tpu.vector_store_idx %arg8[%parallel_loop3A_286], %parallel_loop3A_283 : memref<8192xf32, #tpu.memory_space<vmem>>[vector<16xi32>], vector<16xf32>,
      %parallel_loop3A_287 = arith.constant 6 : i32
      %parallel_loop3A_288 = vector.broadcast %parallel_loop3A_287 : i32 to vector<16xi32>
      %parallel_loop3A_289 = arith.addi %parallel_loop3A_240, %parallel_loop3A_288 : vector<16xi32>
      %parallel_loop3A_290 = tpu.vector_load_idx %arg12[%parallel_loop3A_289] : memref<64xf32, #tpu.memory_space<vmem>>[vector<16xi32>], vector<16xf32>,
      %parallel_loop3A_291 = arith.constant 6 : i32
      %parallel_loop3A_292 = vector.broadcast %parallel_loop3A_291 : i32 to vector<16xi32>
      %parallel_loop3A_293 = arith.addi %parallel_loop3A_244, %parallel_loop3A_292 : vector<16xi32>
      tpu.vector_store_idx %arg8[%parallel_loop3A_293], %parallel_loop3A_290 : memref<8192xf32, #tpu.memory_space<vmem>>[vector<16xi32>], vector<16xf32>,
      %parallel_loop3A_294 = arith.constant 7 : i32
      %parallel_loop3A_295 = vector.broadcast %parallel_loop3A_294 : i32 to vector<16xi32>
      %parallel_loop3A_296 = arith.addi %parallel_loop3A_240, %parallel_loop3A_295 : vector<16xi32>
      %parallel_loop3A_297 = tpu.vector_load_idx %arg12[%parallel_loop3A_296] : memref<64xf32, #tpu.memory_space<vmem>>[vector<16xi32>], vector<16xf32>,
      %parallel_loop3A_298 = arith.constant 7 : i32
      %parallel_loop3A_299 = vector.broadcast %parallel_loop3A_298 : i32 to vector<16xi32>
      %parallel_loop3A_300 = arith.addi %parallel_loop3A_244, %parallel_loop3A_299 : vector<16xi32>
      tpu.vector_store_idx %arg8[%parallel_loop3A_300], %parallel_loop3A_297 : memref<8192xf32, #tpu.memory_space<vmem>>[vector<16xi32>], vector<16xf32>,
    } {sc.loop_unroll_factor = 2 : i64, sc.parallel_access}
    %mul3A_211 = arith.constant 8 : i32
    %mul3A_212 = arith.muli %mul3A_2, %mul3A_211 : i32
    %add3A_213 = arith.constant 4096 : i32
    %add3A_214 = arith.addi %mul3A_212, %add3A_213 : i32
    %dma_start3A_215 = arith.constant 4096 : i32
    %dma_start3A_216 = tpu.memref_slice %arg8[%dma_start3A_215] : memref<8192xf32, #tpu.memory_space<vmem>> -> memref<4096xf32, #tpu.memory_space<vmem>>
    %dma_start3A_217 = tpu.memref_slice %arg6[%add3A_214] : memref<262144xf32, #tpu.memory_space<hbm>> -> memref<4096xf32, #tpu.memory_space<hbm>>
    %dma_start3A_218 = tpu.memref_slice %arg6[%add3A_214] : memref<262144xf32, #tpu.memory_space<hbm>> -> memref<4096xf32, #tpu.memory_space<hbm>>
    %dma_start3A_219 = arith.constant 4096 : i32
    %dma_start3A_220 = tpu.memref_slice %arg8[%dma_start3A_219] : memref<8192xf32, #tpu.memory_space<vmem>> -> memref<4096xf32, #tpu.memory_space<vmem>>
    tpu.enqueue_dma source(%dma_start3A_220 : memref<4096xf32, #tpu.memory_space<vmem>>) target(%dma_start3A_218 : memref<4096xf32, #tpu.memory_space<hbm>>) target_semaphore(%arg13 : memref<!tpu.dma_semaphore, #tpu.memory_space<semaphore_mem>>)
    %dma_wait3A_221 = arith.constant 0 : i32
    %dma_wait3A_222 = tpu.memref_slice %arg8[%dma_wait3A_221] : memref<8192xf32, #tpu.memory_space<vmem>> -> memref<4096xf32, #tpu.memory_space<vmem>>
    %dma_wait3A_223 = tpu.memref_slice %arg6[%add3A_201] : memref<262144xf32, #tpu.memory_space<hbm>> -> memref<4096xf32, #tpu.memory_space<hbm>>
    %dma_wait3A_224 = tpu.memref_slice %arg6[%add3A_201] : memref<262144xf32, #tpu.memory_space<hbm>> -> memref<4096xf32, #tpu.memory_space<hbm>>
    %dma_wait3A_225 = arith.constant 0 : i32
    %dma_wait3A_226 = tpu.memref_slice %arg8[%dma_wait3A_225] : memref<8192xf32, #tpu.memory_space<vmem>> -> memref<4096xf32, #tpu.memory_space<vmem>>
    tpu.wait_dma2 semaphore(%arg13 : memref<!tpu.dma_semaphore, #tpu.memory_space<semaphore_mem>>) src(%dma_wait3A_226 : memref<4096xf32, #tpu.memory_space<vmem>>) dst(%dma_wait3A_224 : memref<4096xf32, #tpu.memory_space<hbm>>)
    %dma_wait3A_227 = arith.constant 4096 : i32
    %dma_wait3A_228 = tpu.memref_slice %arg8[%dma_wait3A_227] : memref<8192xf32, #tpu.memory_space<vmem>> -> memref<4096xf32, #tpu.memory_space<vmem>>
    %dma_wait3A_229 = tpu.memref_slice %arg6[%add3A_214] : memref<262144xf32, #tpu.memory_space<hbm>> -> memref<4096xf32, #tpu.memory_space<hbm>>
    %dma_wait3A_230 = tpu.memref_slice %arg6[%add3A_214] : memref<262144xf32, #tpu.memory_space<hbm>> -> memref<4096xf32, #tpu.memory_space<hbm>>
    %dma_wait3A_231 = arith.constant 4096 : i32
    %dma_wait3A_232 = tpu.memref_slice %arg8[%dma_wait3A_231] : memref<8192xf32, #tpu.memory_space<vmem>> -> memref<4096xf32, #tpu.memory_space<vmem>>
    tpu.wait_dma2 semaphore(%arg13 : memref<!tpu.dma_semaphore, #tpu.memory_space<semaphore_mem>>) src(%dma_wait3A_232 : memref<4096xf32, #tpu.memory_space<vmem>>) dst(%dma_wait3A_230 : memref<4096xf32, #tpu.memory_space<hbm>>)
    return
  }
}

</mosaic_0001>

<sc_bundles>
// kernel: kernel.3.cloned.1.call-start
scs
__scs_entry_jumppad:
0x0: {  	(pc) =	sbr.rel $0x88, $3  }
0x1: {  	(tag) =	ssettag $0x0;
	lr =	simm.s32 $0x1  }
0x2: {  	[smem:$0x3F9D] =	sst lr;
	_ =	strace $0xD0000000  }
0x3: {  	_ = 	snop  }
0x4: {  	_ = 	snop  }
0x5: {  	_ = 	snop  }
0x6: {  	_ = 	snop  }
0x7: {  	_ = 	snop  }
__scs_overlays_trampoline_lowered:
0x8: {  	[smem:$0x3FAC] =	sst s0  }
0x9: {  	[smem:$0x3FAD] =	sst s1  }
0xa: {  	[smem:$0x3FAE] =	sst s2  }
0xb: {  	[smem:$0x3FAF] =	sst s3  }
0xc: {  	[smem:$0x3FB0] =	sst s4  }
0xd: {  	[smem:$0x3FB1] =	sst s5  }
0xe: {  	[smem:$0x3FB2] =	sst s6  }
0xf: {  	[smem:$0x3FB3] =	sst s7  }
0x10: {  	[smem:$0x3FB4] =	sst s8  }
0x11: {  	[smem:$0x3FB5] =	sst s9;
	s0 =	simm.s32 @!p0 $0x0  }
0x12: {  	s1 =	sld [smem:$0x3F9B];
	s0 =	simm.s32 @p0 $0x1  }
0x13: {  	[smem:$0x3FB6] =	sst s0;
	s0 =	simm.s32 @!p1 $0x0  }
0x14: {  	s2 =	sld [smem:$0x3F9A];
	s0 =	simm.s32 @p1 $0x1  }
0x15: {  	[smem:$0x3FB7] =	sst s0;
	s0 =	simm.s32 @!p2 $0x0  }
0x16: {  	s3 =	sld [smem:$0x3FDB];
	s0 =	simm.s32 @p2 $0x1  }
0x17: {  	s4 =	simm.s32 $0x1BF5;
	[smem:$0x3FB9] =	sst s0  }
0x18: {  	s0 =	sld [smem:$0x3F9C];
	_ =	swait.ge [sflag:s4], $0x0  }
0x19: {  	s7 =	sld [smem:$0x3F9D]  }
0x1a: {  	s8 =	sadd.s32 $0xFFFFE003, lr  }
0x1b: {  	s9 =	sadd.s32 $0xFFFFFEF7, lr;
	s5 =	simm.s32 $0xFFFFFFFF;
	p2 =	slt.u32 s8, $0xFFFFF086  }
0x1c: {  	p1 =	slt.u32 s9, $0xF7A;
	s5 =	simm.s32 @!p2 $0x0  }
0x1d: {  	s5 =	simm.s32 @p1 $0x1;
	p0 =	seq.s32 s7, s2  }
0x1e: {  	s7 =	smul.u32 @!p0 $0xF7A, s2;
	p2 =	seq.s32 @!p0 s5, $0x0  }
0x1f: {  	s9 =	smul.u32 $0xF7A, s1;
	s8 =	simm.s32 @!p0 $0x1BF5;
	p2 =	por !p2, p0  }
0x20: {  	[sflag:s8] =	ssyncset.s32 @!p0 $0xFFFFF086;
	s6 =	sadd.s32 @!p0 s3, s7;
	s7 =	simm.s32 @!p0 $0x108  }
0x21: {  	s3 =	sadd.s32 s3, s9;
	s6 =	sadd.s32 @!p0 $0x88, s6;
	s7 =	simm.s32 @p2 $0x1082  }
0x22: {  	[simem:s7], [sflag:s8] =	dma.local @!p0 [hbm:s6], $0xF7A  }
0x23: {  	s9 =	sor.u32 $0xD0000000, s2;
	s6 =	simm.s32 $0x108;
	_ =	swait.ge @!p0 [sflag:s8], $0x0  }
0x24: {  	s3 =	sadd.s32 $0x88, s3;
	s6 =	simm.s32 @!p1 $0x1082;
	[sflag:s4] =	ssyncset.s32 $0xFFFFF086  }
0x25: {  	[simem:s6], [sflag:s4] =	dma.local [hbm:s3], $0xF7A  }
0x26: {  	[smem:$0x3F9D] =	sst s1;
	(tag) =	ssettag s2;
	_ =	strace s9  }
0x27: {  	s1 =	sld [smem:$0x3FAD]  }
0x28: {  	s2 =	sld [smem:$0x3FAE]  }
0x29: {  	s4 =	sld [smem:$0x3FB0]  }
0x2a: {  	p0 =	seq.s32 s5, $0x0;
	s5 =	sld [smem:$0x3FB1]  }
0x2b: {  	s6 =	sld [smem:$0x3FB2]  }
0x2c: {  	s7 =	sld [smem:$0x3FB3]  }
0x2d: {  	s3 =	simm.s32 $0x108;
	s8 =	sld [smem:$0x3FB4]  }
0x2e: {  	s3 =	simm.s32 @!p0 $0x1082;
	s9 =	sld [smem:$0x3FB5]  }
0x2f: {  	lr =	sadd.s32 s0, s3;
	s0 =	sld [smem:$0x3FAC]  }
0x30: {  	s3 =	sld [smem:$0x3FAF]  }
0x31: {  	[smem:$0x3FB8] =	sst s10  }
0x32: {  	s10 =	sld [smem:$0x3FB6];
	_ =	sdelay $0x3  }
0x33: {  	p0 =	seq.s32 s10, $0x1;
	s10 =	sld [smem:$0x3FB8];
	_ =	sdelay $0x3  }
0x34: {  	[smem:$0x3FB8] =	sst s10  }
0x35: {  	s10 =	sld [smem:$0x3FB7];
	_ =	sdelay $0x3  }
0x36: {  	p1 =	seq.s32 s10, $0x1;
	s10 =	sld [smem:$0x3FB8];
	_ =	sdelay $0x3  }
0x37: {  	[smem:$0x3FB8] =	sst s10  }
0x38: {  	s10 =	sld [smem:$0x3FB9]  }
0x39: {  	_ = 	snop;
	(pc) =	sbr.ind lr, $3  }
0x3a: {  	_ = 	snop  }
0x3b: {  	_ = 	snop  }
0x3c: {  	p2 =	seq.s32 s10, $0x1;
	s10 =	sld [smem:$0x3FB8]  }
0x3d: {  	_ =	shalt  }
0x3e: {  	_ =	shalt  }
0x3f: {  	_ =	shalt  }
0x40: {  	_ =	shalt  }
0x41: {  	_ =	shalt  }
0x42: {  	_ =	shalt  }
0x43: {  	_ =	shalt  }
0x44: {  	_ =	shalt  }
0x45: {  	_ =	shalt  }
0x46: {  	_ =	shalt  }
0x47: {  	_ =	shalt  }
0x48: {  	_ =	shalt  }
0x49: {  	_ =	shalt  }
0x4a: {  	_ =	shalt  }
0x4b: {  	_ =	shalt  }
0x4c: {  	_ =	shalt  }
0x4d: {  	_ =	shalt  }
0x4e: {  	_ =	shalt  }
0x4f: {  	_ =	shalt  }
0x50: {  	_ =	shalt  }
0x51: {  	_ =	shalt  }
0x52: {  	_ =	shalt  }
0x53: {  	_ =	shalt  }
0x54: {  	_ =	shalt  }
0x55: {  	_ =	shalt  }
0x56: {  	_ =	shalt  }
0x57: {  	_ =	shalt  }
0x58: {  	_ =	shalt  }
0x59: {  	_ =	shalt  }
0x5a: {  	_ =	shalt  }
0x5b: {  	_ =	shalt  }
0x5c: {  	_ =	shalt  }
0x5d: {  	_ =	shalt  }
0x5e: {  	_ =	shalt  }
0x5f: {  	_ =	shalt  }
0x60: {  	_ =	shalt  }
0x61: {  	_ =	shalt  }
0x62: {  	_ =	shalt  }
0x63: {  	_ =	shalt  }
0x64: {  	_ =	shalt  }
0x65: {  	_ =	shalt  }
0x66: {  	_ =	shalt  }
0x67: {  	_ =	shalt  }
0x68: {  	_ =	shalt  }
0x69: {  	_ =	shalt  }
0x6a: {  	_ =	shalt  }
0x6b: {  	_ =	shalt  }
0x6c: {  	_ =	shalt  }
0x6d: {  	_ =	shalt  }
0x6e: {  	_ =	shalt  }
0x6f: {  	_ =	shalt  }
0x70: {  	_ =	shalt  }
0x71: {  	_ =	shalt  }
0x72: {  	_ =	shalt  }
0x73: {  	_ =	shalt  }
0x74: {  	_ =	shalt  }
0x75: {  	_ =	shalt  }
0x76: {  	_ =	shalt  }
0x77: {  	_ =	shalt  }
0x78: {  	_ =	shalt  }
0x79: {  	_ =	shalt  }
0x7a: {  	_ =	shalt  }
0x7b: {  	_ =	shalt  }
0x7c: {  	_ =	shalt  }
0x7d: {  	_ =	shalt  }
0x7e: {  	_ =	shalt  }
0x7f: {  	_ =	shalt  }
0x80: {  	_ =	shalt  }
0x81: {  	_ =	shalt  }
0x82: {  	_ =	shalt  }
0x83: {  	_ =	shalt  }
0x84: {  	_ =	shalt  }
0x85: {  	_ =	shalt  }
0x86: {  	_ =	shalt  }
0x87: {  	_ =	shalt  }
.Lfunc_end0:
.L_simem_size_0:
called_computation_lowered:
.L_overlay_start_0:
0x88: {  	s2 =	sld [smem:$0x3FD9]  }
0x89: {  	s3 =	sld [smem:$0x3FFE];
	_ =	sdelay $0x1  }
0x8a: {  	s1 =	srdreg.scid  }
0x8b: {  	s0 =	sand.u32 $0x1, s1  }
0x8c: {  	s18 =	sshll.u32 s0, $0xA;
	s2 =	sadd.s32 s3, s2  }
0x8d: {  	s2 =	sadd.s32 s2, s18  }
0x8e: {  	[smem:$0x3FC4] =	sst s2  }
0x8f: {  	_ = 	snop  }
0x90: {  	s2 =	sld [smem:$0x3FC9]  }
0x91: {  	s19 =	sld [smem:$0x3FC8]  }
0x92: {  	s4 =	sld [smem:$0x3FC7]  }
0x93: {  	s5 =	sld [smem:$0x3FC6]  }
0x94: {  	s6 =	sld [smem:$0x3FD0];
	(tm) =	ssettm $0x1  }
0x95: {  	s7 =	sld [smem:$0x3FFB];
	_ =	sdelay $0x3  }
0x96: {  	_ =	strace s7  }
0x97: {  	s7 =	sld [smem:$0x3FFC];
	_ =	sdelay $0x3  }
0x98: {  	_ =	strace s7  }
0x99: {  	s7 =	sld [smem:$0x3FFD];
	_ =	sdelay $0x3  }
0x9a: {  	_ =	strace s7  }
0x9b: {  	_ =	strace $0x8FFFFFFF  }
0x9c: {  	s20 =	sld [smem:$0x3FDB];
	_ =	sdelay $0x1  }
0x9d: {  	s8 =	simm.s32 $_scs_section_size  }
0x9e: {  	s9 =	simm.s32 $_size__tile_overlayer_lowered;
	s10 =	simm.s32 $_tile_overlayer_lowered  }
0x9f: {  	s23 =	simm.s32 $0x1BFF;
	s22 =	sshll.u32 s10, $0x1;
	s7 =	sadd.s32 s8, s20  }
0xa0: {  	s11 =	simm.s32 $0x0;
	s21 =	sshll.u32 s9, $0x1;
	s9 =	sadd.s32 s22, s7  }
0xa1: {  	[timem:s11], [sflag:s23] =	dma.local [hbm:s9], s21  }
0xa2: {  	_ =	swait.ge [sflag:s23], s21  }
0xa3: {  	s8 =	ssub.s32 $0x0, s21;
	[sflag:s23] =	ssyncset.done $0x0  }
0xa4: {  	[sflag:s23] =	ssyncadd.s32 s8;
	_ =	sdelay $0x1  }
0xa5: {  	s24 =	simm.s32 $0x1B8B  }
0xa6: {  	_ =	swait.ge [sflag:s24], $0x1  }
0xa7: {  	[sflag:s24] =	ssyncset.done $0x0  }
0xa8: {  	s25 =	simm.s32 $0x1B8E;
	[sflag:s24] =	ssyncadd.s32 $0xFFFFFFFF  }
0xa9: {  	s26 =	simm.s32 $execute0_lowered;
	[smem:$0x3FD2] =	sst s25  }
0xaa: {  	s8 =	sshll.u32 s26, $0x1;
	_ =	strace $0x80000046;
	[dreg:$0x1] =	wrdreg $0xFFFFFFFF  }
0xab: {  	s28 =	simm.s32 $_size_execute0_lowered;
	s7 =	sadd.s32 s7, s8;
	[dreg:$0x0] =	wrdreg $0x0  }
0xac: {  	s8 =	sshll.u32 s28, $0x1;
	[dreg:$0x2] =	wrdreg s7  }
0xad: {  	[dreg:$0x3] =	wrdreg s8  }
0xae: {  	[dreg:$0x4] =	wrdreg $0xC0  }
0xaf: {  	_ =	task [dreg:s11], $0x5FFFF  }
0xb0: {  	[dreg:$0x1] =	wrdreg $0xFFFFFFFF  }
0xb1: {  	[dreg:$0x0] =	wrdreg $0x60  }
0xb2: {  	[dreg:$0x2] =	wrdreg s2  }
0xb3: {  	[dreg:$0x3] =	wrdreg s19  }
0xb4: {  	[dreg:$0x4] =	wrdreg s4  }
0xb5: {  	[dreg:$0x5] =	wrdreg s5  }
0xb6: {  	[dreg:$0x6] =	wrdreg s6  }
0xb7: {  	[dreg:$0x7] =	wrdreg $0x9  }
0xb8: {  	_ =	task.clear_ibuf [dreg:s11], $0x8FFFF;
	_ =	strace $0x90000046  }
0xb9: {  	s29 =	simm.s32 $0x9;
	_ =	strace $0x80000048  }
0xba: {  	_ =	swait.ge [sflag:s29], $0x1  }
0xbb: {  	[sflag:s29] =	ssyncadd.s32 $0xFFFFFFFF  }
0xbc: {  	_ =	strace $0x90000048  }
0xbd: {  	_ =	sfence  }
0xbe: {  	s30 =	sld [smem:$0x0];
	_ =	sdelay $0x2  }
0xbf: {  	s31 =	sshll.u32 s1, $0xD;
	s1 =	sshrl.u32 s1, $0x2  }
0xc0: {  	s3 =	sand.u32 $0x4000, s31;
	s1 =	sadd.s32 s1, s30  }
0xc1: {  	s0 =	sor.u32 s3, s0;
	s1 =	sshll.u32 s1, $0x11  }
0xc2: {  	s0 =	sor.u32 s1, s0  }
0xc3: {  	s0 =	sadd.s32 $0x8F2B, s0  }
0xc4: {  	[sflag:s0] =	ssyncadd.remote.s32 $0x1  }
0xc5: {  	_ =	sfence.sel $0xFFFF  }
0xc6: {  	[dreg:$0x0] =	wrdreg $0xFFFFFFFF;
	(pc) =	sbr.abs _section_cstart, $3  }
0xc7: {  	[dreg:$0x1] =	wrdreg $0xFFFFFFFF  }
0xc8: {  	_ =	task.clear_ibuf [dreg:s11], $0x2FFFF;
	_ =	strace $0x9FFFFFFF  }
0xc9: {  	(tm) =	ssettm $0x7FFFFFFF  }
tec
execute0_lowered:
.L_overlay_start_1:
0x0: {  	(tag) =	ssettag $0x1  }
0x1: {  	v0 =	vlaneseq.u32  }
0x2: {  	v1 =	vand.u32 $0x7, v0  }
0x3: {  	[tilespmem:$0x1FD60] =	vst v1;
	v1 =	vmul.u32 $0x80, v1;
	_ =	sdelay $0x1  }
0x4: {  	v2 =	vor.u32 $0x1, v1;
	[tilespmem:$0x1FDD0] =	vst v1  }
0x5: {  	v27 =	vor.u32 $0x2, v1;
	[tilespmem:$0x1FD70] =	vst v2  }
0x6: {  	v3 =	vor.u32 $0x3, v1;
	[tilespmem:$0x1FD80] =	vst v27  }
0x7: {  	v29 =	vor.u32 $0x4, v1;
	[tilespmem:$0x1FD90] =	vst v3  }
0x8: {  	v28 =	vshrl.u32 v0, $0x3;
	v30 =	vor.u32 $0x5, v1;
	[tilespmem:$0x1FDA0] =	vst v29  }
0x9: {  	v31 =	vor.u32 $0x6, v1;
	v2 =	vmul.u32 $0x80, v28;
	[tilespmem:$0x1FDB0] =	vst v30  }
0xa: {  	v1 =	vor.u32 $0x7, v1;
	[tilespmem:$0x1FDC0] =	vst v31  }
0xb: {  	[tilespmem:$0x1FDE0] =	vst v1;
	v32 =	vor.u32 $0x1, v2  }
0xc: {  	v33 =	vor.u32 $0x2, v2;
	[tilespmem:$0x1FDF0] =	vst v32  }
0xd: {  	v34 =	vor.u32 $0x3, v2;
	[tilespmem:$0x1FE00] =	vst v33  }
0xe: {  	v35 =	vor.u32 $0x4, v2;
	[tilespmem:$0x1FE10] =	vst v34  }
0xf: {  	v36 =	vor.u32 $0x5, v2;
	[tilespmem:$0x1FE20] =	vst v35  }
0x10: {  	v37 =	vor.u32 $0x6, v2;
	[tilespmem:$0x1FE30] =	vst v36  }
0x11: {  	v38 =	vor.u32 $0x7, v2;
	[tilespmem:$0x1FE40] =	vst v37  }
0x12: {  	s6 =	rddreg [dreg:$0x0];
	v39 =	vor.u32 $0x100, v2;
	[tilespmem:$0x1FE50] =	vst v38  }
0x13: {  	s0 =	rddreg [dreg:$0x1];
	v40 =	vor.u32 $0x101, v2;
	[tilespmem:$0x1FE60] =	vst v39  }
0x14: {  	s1 =	rddreg [dreg:$0x2];
	v41 =	vor.u32 $0x102, v2;
	[tilespmem:$0x1FE70] =	vst v40  }
0x15: {  	s2 =	rddreg [dreg:$0x3];
	v42 =	vor.u32 $0x103, v2;
	[tilespmem:$0x1FE80] =	vst v41  }
0x16: {  	s7 =	rddreg [dreg:$0x4];
	s4 =	simm.s32 $0x0;
	v43 =	vor.u32 $0x104, v2;
	[tilespmem:$0x1FE90] =	vst v42  }
0x17: {  	[smem:$0x7FF] =	sst s4;
	v44 =	vor.u32 $0x105, v2;
	[tilespmem:$0x1FEA0] =	vst v43  }
0x18: {  	s3 =	rddreg [dreg:$0x5];
	v45 =	vor.u32 $0x106, v2;
	_ =	strace $0x80000047;
	[tilespmem:$0x1FEB0] =	vst v44  }
0x19: {  	v46 =	vor.u32 $0x107, v2;
	[tilespmem:$0x1FEC0] =	vst v45  }
0x1a: {  	v47 =	vor.u32 $0x200, v2;
	[tilespmem:$0x1FED0] =	vst v46  }
0x1b: {  	v48 =	vor.u32 $0x201, v2;
	[tilespmem:$0x1FEE0] =	vst v47  }
0x1c: {  	v49 =	vor.u32 $0x202, v2;
	[tilespmem:$0x1FEF0] =	vst v48  }
0x1d: {  	v50 =	vor.u32 $0x203, v2;
	[tilespmem:$0x1FF00] =	vst v49  }
0x1e: {  	v51 =	vor.u32 $0x204, v2;
	[tilespmem:$0x1FF10] =	vst v50  }
0x1f: {  	v52 =	vor.u32 $0x205, v2;
	[tilespmem:$0x1FF20] =	vst v51  }
0x20: {  	v53 =	vor.u32 $0x206, v2;
	[tilespmem:$0x1FF30] =	vst v52  }
0x21: {  	v54 =	vor.u32 $0x207, v2;
	[tilespmem:$0x1FF40] =	vst v53  }
0x22: {  	v55 =	vor.u32 $0x300, v2;
	[tilespmem:$0x1FF50] =	vst v54  }
0x23: {  	s8 =	srdreg.scid;
	v56 =	vor.u32 $0x301, v2;
	[tilespmem:$0x1FF60] =	vst v55  }
0x24: {  	s5 =	stileid.u32;
	s13 =	simm.s32 $0x200;
	s14 =	simm.s32 $0x2;
	v57 =	vor.u32 $0x302, v2;
	[tilespmem:$0x1FF70] =	vst v56  }
0x25: {  	s15 =	simm.s32 $0x1;
	s16 =	simm.s32 $0x2C80;
	s17 =	simm.s32 $0x400;
	v58 =	vor.u32 $0x303, v2;
	[tilespmem:$0x1FF80] =	vst v57  }
0x26: {  	s18 =	simm.s32 $0x1400;
	s19 =	simm.s32 $0x0;
	s8 =	sand.u32 $0x1, s8;
	v59 =	vor.u32 $0x304, v2;
	[tilespmem:$0x1FF90] =	vst v58  }
0x27: {  	s9 =	sshll.u32 s5, $0x1;
	s30 =	sshll.u32 s5, $0x2;
	s10 =	ssub.s32 $0x2, s8;
	v60 =	vor.u32 $0x305, v2;
	[tilespmem:$0x1FFA0] =	vst v59  }
0x28: {  	s8 =	sor.u32 s8, s9;
	s9 =	sand.u32 $0x30, s30;
	s11 =	sshrl.u32 s10, $0x1;
	v61 =	vor.u32 $0x306, v2;
	v41 =	vmul.u32 $0x8, v0;
	[tilespmem:$0x1FFB0] =	vst v60  }
0x29: {  	s12 =	sshll.u32 s8, $0x9;
	s6 =	sadd.s32 s6, s9;
	s8 =	sshll.u32 s8, $0xA;
	[tilespmem:$0x1FFC0] =	vst v61  }
0x2a: {  	s12 =	sand.u32 $0xE00, s12;
	s31 =	ssub.s32 s10, s11;
	s7 =	sadd.s32 s7, s8;
	v62 =	vor.u32 $0x307, v2;
	[tilespmem:$0x1FFD0] =	vst v2;
	v63 =	vor.u32 $0x1, v41  }
0x2b: {  	s10 =	simm.s32 $0x2400;
	s11 =	simm.s32 $0x2800;
	s6 =	sadd.s32 s12, s6;
	[tilespmem:$0x1FFE0] =	vst v62;
	v43 =	vor.u32 $0x2, v41;
	v44 =	vor.u32 $0x3, v41;
	v45 =	vor.u32 $0x4, v41  }
0x2c: {  	s8 =	sadd.s32 $0x200, s7;
	s9 =	smax.u32 s31, $0x1;
	s12 =	simm.s32 $0x2C00;
	v46 =	vor.u32 $0x5, v41;
	v47 =	vor.u32 $0x6, v41;
	v48 =	vor.u32 $0x7, v41;
	[tilespmem:$0x1FFF0] =	vst v63  }
.LBB2_1:
0x2d: {  	[tilespmem:s10], [sflag:$0x2] =	stream.linear.gather [hbm4b:s0+s4], $0x400, $0x38;
	[tilespmem:$0x2D00] =	vst v63  }
0x2e: {  	_ = 	snop  }
0x2f: {  	[tilespmem:s11], [sflag:$0x2] =	stream.linear.gather [hbm4b:s1+s4], $0x400, $0x38;
	[tilespmem:$0x2D00] =	vst v63  }
0x30: {  	_ = 	snop  }
0x31: {  	[tilespmem:s12], [sflag:$0x2] =	stream.linear.gather [hbm4b:s2+s4], $0x80, $0x38;
	[tilespmem:$0x2D00] =	vst v63  }
0x32: {  	s22 =	simm.s32 $0x80  }
0x33: {  	[tilespmem:s4], [sflag:$0x1] =	stream.strided.gather [hbm4b:s6+s22], $0x400, s13, s22, $0x38;
	[tilespmem:$0x2D00] =	vst v63  }
0x34: {  	_ =	swait.ge [sflag:s14], $0x400  }
0x35: {  	[sflag:s14] =	ssyncset.done $0x0  }
0x36: {  	[sflag:s14] =	ssyncadd.s32 $0xFFFFFC00  }
0x37: {  	_ =	swait.ge [sflag:s14], $0x400  }
0x38: {  	[sflag:s14] =	ssyncset.done $0x0  }
0x39: {  	[sflag:s14] =	ssyncadd.s32 $0xFFFFFC00  }
0x3a: {  	_ =	swait.ge [sflag:s14], $0x80  }
0x3b: {  	v1 =	vld [tilespmem:$0x1FDD0];
	_ =	sdelay $0x5  }
0x3c: {  	[sflag:s14] =	ssyncset.done $0x0  }
0x3d: {  	[sflag:s14] =	ssyncadd.s32 $0xFFFFFF80  }
0x3e: {  	v2 =	vld.idx.msk [tilespmem:v1+s11+$0x0], $0xffff  }
0x3f: {  	v1 =	vld [tilespmem:$0x1FFD0];
	_ =	sdelay $0x7  }
0x40: {  	v3 =	vld.idx.msk [tilespmem:v1+s10+$0x0], $0xffff  }
0x41: {  	v1 =	vld [tilespmem:$0x1FD70];
	_ =	sdelay $0x7  }
0x42: {  	v4 =	vld.idx.msk [tilespmem:v1+s11+$0x0], $0xffff  }
0x43: {  	v1 =	vld [tilespmem:$0x1FDF0];
	_ =	sdelay $0x7  }
0x44: {  	v5 =	vld.idx.msk [tilespmem:v1+s10+$0x0], $0xffff  }
0x45: {  	v1 =	vld [tilespmem:$0x1FD80];
	_ =	sdelay $0x7  }
0x46: {  	v7 =	vld.idx.msk [tilespmem:v1+s11+$0x0], $0xffff  }
0x47: {  	v1 =	vld [tilespmem:$0x1FE00];
	_ =	sdelay $0x7  }
0x48: {  	v8 =	vld.idx.msk [tilespmem:v1+s10+$0x0], $0xffff  }
0x49: {  	v1 =	vld [tilespmem:$0x1FD90];
	_ =	sdelay $0x7  }
0x4a: {  	v9 =	vld.idx.msk [tilespmem:v1+s11+$0x0], $0xffff  }
0x4b: {  	v1 =	vld [tilespmem:$0x1FE10];
	_ =	sdelay $0x7  }
0x4c: {  	v10 =	vld.idx.msk [tilespmem:v1+s10+$0x0], $0xffff  }
0x4d: {  	v1 =	vld [tilespmem:$0x1FDA0];
	_ =	sdelay $0x7  }
0x4e: {  	v11 =	vld.idx.msk [tilespmem:v1+s11+$0x0], $0xffff  }
0x4f: {  	v1 =	vld [tilespmem:$0x1FE20];
	_ =	sdelay $0x7  }
0x50: {  	v12 =	vld.idx.msk [tilespmem:v1+s10+$0x0], $0xffff  }
0x51: {  	v1 =	vld [tilespmem:$0x1FDB0];
	_ =	sdelay $0x1  }
0x52: {  	v0 =	vld [tilespmem:$0x1FD60];
	_ =	sdelay $0x5  }
0x53: {  	v13 =	vld.idx.msk [tilespmem:v1+s11+$0x0], $0xffff  }
0x54: {  	v1 =	vld [tilespmem:$0x1FE30]  }
0x55: {  	v0 =	vld.idx.msk [tilespmem:v0+s12+$0x0], $0xffff;
	_ =	sdelay $0x2  }
0x56: {  	v3 =	vmul.f32 v3, v2;
	_ =	sdelay $0x1  }
0x57: {  	v3 =	vadd.f32 v3, v0;
	v5 =	vmul.f32 v5, v4;
	_ =	sdelay $0x1  }
0x58: {  	v3 =	vadd.f32 v5, v3;
	v5 =	vmul.f32 v8, v7;
	v8 =	vld.idx.msk [tilespmem:v1+s10+$0x0], $0xffff  }
0x59: {  	v1 =	vld [tilespmem:$0x1FDC0];
	_ =	sdelay $0x7  }
0x5a: {  	v14 =	vld.idx.msk [tilespmem:v1+s11+$0x0], $0xffff  }
0x5b: {  	v1 =	vld [tilespmem:$0x1FE40];
	_ =	sdelay $0x7  }
0x5c: {  	v3 =	vadd.f32 v5, v3;
	v5 =	vmul.f32 v10, v9;
	v10 =	vld.idx.msk [tilespmem:v1+s10+$0x0], $0xffff  }
0x5d: {  	v1 =	vld [tilespmem:$0x1FDE0];
	_ =	sdelay $0x7  }
0x5e: {  	v15 =	vld.idx.msk [tilespmem:v1+s11+$0x0], $0xffff  }
0x5f: {  	v1 =	vld [tilespmem:$0x1FE50];
	_ =	sdelay $0x6  }
0x60: {  	v3 =	vadd.f32 v5, v3;
	v5 =	vmul.f32 v12, v11  }
0x61: {  	v12 =	vld.idx.msk [tilespmem:v1+s10+$0x0], $0xffff  }
0x62: {  	v3 =	vadd.f32 v5, v3;
	v5 =	vmul.f32 v8, v13  }
0x63: {  	v1 =	vld [tilespmem:$0x1FE60]  }
0x64: {  	v3 =	vadd.f32 v5, v3;
	v5 =	vmul.f32 v10, v14;
	_ =	sdelay $0x1  }
0x65: {  	v3 =	vadd.f32 v5, v3;
	v5 =	vmul.f32 v12, v15;
	_ =	sdelay $0x1  }
0x66: {  	v3 =	vadd.f32 v5, v3;
	_ =	sdelay $0x1  }
0x67: {  	[tilespmem:$0x2C80] =	vst v3  }
0x68: {  	v3 =	vld.idx.msk [tilespmem:v1+s10+$0x0], $0xffff  }
0x69: {  	v1 =	vld [tilespmem:$0x1FE70];
	_ =	sdelay $0x7  }
0x6a: {  	v5 =	vld.idx.msk [tilespmem:v1+s10+$0x0], $0xffff  }
0x6b: {  	v1 =	vld [tilespmem:$0x1FE80];
	_ =	sdelay $0x7  }
0x6c: {  	v8 =	vld.idx.msk [tilespmem:v1+s10+$0x0], $0xffff  }
0x6d: {  	v1 =	vld [tilespmem:$0x1FE90];
	_ =	sdelay $0x7  }
0x6e: {  	v10 =	vld.idx.msk [tilespmem:v1+s10+$0x0], $0xffff  }
0x6f: {  	v1 =	vld [tilespmem:$0x1FEA0];
	_ =	sdelay $0x7  }
0x70: {  	v12 =	vld.idx.msk [tilespmem:v1+s10+$0x0], $0xffff  }
0x71: {  	v1 =	vld [tilespmem:$0x1FEB0];
	_ =	sdelay $0x3  }
0x72: {  	v3 =	vmul.f32 v3, v2;
	_ =	sdelay $0x1  }
0x73: {  	v3 =	vadd.f32 v3, v0;
	v5 =	vmul.f32 v5, v4;
	_ =	sdelay $0x1  }
0x74: {  	v3 =	vadd.f32 v5, v3;
	v5 =	vmul.f32 v8, v7;
	v8 =	vld.idx.msk [tilespmem:v1+s10+$0x0], $0xffff  }
0x75: {  	v1 =	vld [tilespmem:$0x1FEC0];
	_ =	sdelay $0x7  }
0x76: {  	v3 =	vadd.f32 v5, v3;
	v5 =	vmul.f32 v10, v9;
	v10 =	vld.idx.msk [tilespmem:v1+s10+$0x0], $0xffff  }
0x77: {  	v1 =	vld [tilespmem:$0x1FED0];
	_ =	sdelay $0x6  }
0x78: {  	v3 =	vadd.f32 v5, v3;
	v5 =	vmul.f32 v12, v11  }
0x79: {  	v12 =	vld.idx.msk [tilespmem:v1+s10+$0x0], $0xffff  }
0x7a: {  	v3 =	vadd.f32 v5, v3;
	v5 =	vmul.f32 v8, v13  }
0x7b: {  	v1 =	vld [tilespmem:$0x1FEE0]  }
0x7c: {  	v3 =	vadd.f32 v5, v3;
	v5 =	vmul.f32 v10, v14;
	_ =	sdelay $0x1  }
0x7d: {  	v3 =	vadd.f32 v5, v3;
	v5 =	vmul.f32 v12, v15;
	_ =	sdelay $0x1  }
0x7e: {  	v3 =	vadd.f32 v5, v3;
	_ =	sdelay $0x1  }
0x7f: {  	[tilespmem:$0x2C90] =	vst v3  }
0x80: {  	v3 =	vld.idx.msk [tilespmem:v1+s10+$0x0], $0xffff  }
0x81: {  	v1 =	vld [tilespmem:$0x1FEF0];
	_ =	sdelay $0x7  }
0x82: {  	v5 =	vld.idx.msk [tilespmem:v1+s10+$0x0], $0xffff  }
0x83: {  	v1 =	vld [tilespmem:$0x1FF00];
	_ =	sdelay $0x7  }
0x84: {  	v8 =	vld.idx.msk [tilespmem:v1+s10+$0x0], $0xffff  }
0x85: {  	v1 =	vld [tilespmem:$0x1FF10];
	_ =	sdelay $0x7  }
0x86: {  	v10 =	vld.idx.msk [tilespmem:v1+s10+$0x0], $0xffff  }
0x87: {  	v1 =	vld [tilespmem:$0x1FF20];
	_ =	sdelay $0x7  }
0x88: {  	v12 =	vld.idx.msk [tilespmem:v1+s10+$0x0], $0xffff  }
0x89: {  	v1 =	vld [tilespmem:$0x1FF30];
	_ =	sdelay $0x3  }
0x8a: {  	v3 =	vmul.f32 v3, v2;
	_ =	sdelay $0x1  }
0x8b: {  	v3 =	vadd.f32 v3, v0;
	v5 =	vmul.f32 v5, v4;
	_ =	sdelay $0x1  }
0x8c: {  	v3 =	vadd.f32 v5, v3;
	v5 =	vmul.f32 v8, v7;
	v8 =	vld.idx.msk [tilespmem:v1+s10+$0x0], $0xffff  }
0x8d: {  	v1 =	vld [tilespmem:$0x1FF40];
	_ =	sdelay $0x7  }
0x8e: {  	v3 =	vadd.f32 v5, v3;
	v5 =	vmul.f32 v10, v9;
	v10 =	vld.idx.msk [tilespmem:v1+s10+$0x0], $0xffff  }
0x8f: {  	v1 =	vld [tilespmem:$0x1FF50];
	_ =	sdelay $0x6  }
0x90: {  	v3 =	vadd.f32 v5, v3;
	v5 =	vmul.f32 v12, v11  }
0x91: {  	v12 =	vld.idx.msk [tilespmem:v1+s10+$0x0], $0xffff  }
0x92: {  	v3 =	vadd.f32 v5, v3;
	v5 =	vmul.f32 v8, v13  }
0x93: {  	v1 =	vld [tilespmem:$0x1FF60]  }
0x94: {  	v3 =	vadd.f32 v5, v3;
	v5 =	vmul.f32 v10, v14;
	_ =	sdelay $0x1  }
0x95: {  	v3 =	vadd.f32 v5, v3;
	v5 =	vmul.f32 v12, v15;
	_ =	sdelay $0x1  }
0x96: {  	v3 =	vadd.f32 v5, v3;
	_ =	sdelay $0x1  }
0x97: {  	[tilespmem:$0x2CA0] =	vst v3  }
0x98: {  	v3 =	vld.idx.msk [tilespmem:v1+s10+$0x0], $0xffff  }
0x99: {  	v1 =	vld [tilespmem:$0x1FF70];
	_ =	sdelay $0x7  }
0x9a: {  	v5 =	vld.idx.msk [tilespmem:v1+s10+$0x0], $0xffff  }
0x9b: {  	v1 =	vld [tilespmem:$0x1FF80];
	_ =	sdelay $0x7  }
0x9c: {  	v8 =	vld.idx.msk [tilespmem:v1+s10+$0x0], $0xffff  }
0x9d: {  	v1 =	vld [tilespmem:$0x1FF90];
	_ =	sdelay $0x7  }
0x9e: {  	v2 =	vmul.f32 v3, v2;
	v3 =	vld.idx.msk [tilespmem:v1+s10+$0x0], $0xffff  }
0x9f: {  	v1 =	vld [tilespmem:$0x1FFA0];
	_ =	sdelay $0x7  }
0xa0: {  	v0 =	vadd.f32 v2, v0;
	v2 =	vmul.f32 v5, v4;
	v4 =	vld.idx.msk [tilespmem:v1+s10+$0x0], $0xffff  }
0xa1: {  	v1 =	vld [tilespmem:$0x1FFB0];
	_ =	sdelay $0x7  }
0xa2: {  	v5 =	vld.idx.msk [tilespmem:v1+s10+$0x0], $0xffff  }
0xa3: {  	v1 =	vld [tilespmem:$0x1FFC0];
	_ =	sdelay $0x5  }
0xa4: {  	v0 =	vadd.f32 v2, v0;
	v2 =	vmul.f32 v8, v7;
	_ =	sdelay $0x1  }
0xa5: {  	v0 =	vadd.f32 v2, v0;
	v2 =	vmul.f32 v3, v9;
	v3 =	vld.idx.msk [tilespmem:v1+s10+$0x0], $0xffff  }
0xa6: {  	v1 =	vld [tilespmem:$0x1FFE0];
	_ =	sdelay $0x6  }
0xa7: {  	v0 =	vadd.f32 v2, v0;
	v2 =	vmul.f32 v4, v11  }
0xa8: {  	v4 =	vld.idx.msk [tilespmem:v1+s10+$0x0], $0xffff  }
0xa9: {  	v0 =	vadd.f32 v2, v0;
	v2 =	vmul.f32 v5, v13;
	_ =	sdelay $0x1  }
0xaa: {  	v0 =	vadd.f32 v2, v0;
	v2 =	vmul.f32 v3, v14;
	_ =	sdelay $0x1  }
0xab: {  	v0 =	vadd.f32 v2, v0;
	v2 =	vmul.f32 v4, v15;
	_ =	sdelay $0x1  }
0xac: {  	v0 =	vadd.f32 v2, v0;
	_ =	sdelay $0x1  }
0xad: {  	[tilespmem:$0x2CB0] =	vst v0  }
0xae: {  	_ =	swait.ge [sflag:s15], $0x400  }
0xaf: {  	[sflag:s15] =	ssyncset.done $0x0  }
0xb0: {  	s20 =	simm.s32 $0x10;
	[sflag:s15] =	ssyncadd.s32 $0xFFFFFC00  }
0xb1: {  	v0 =	vld [tilespmem:s20+$0x0];
	_ =	sdelay $0x4  }
0xb2: {  	v0 =	vshll.u32 v0, $0x3;
	_ =	sdelay $0x4  }
0xb3: {  	v3 =	vor.u32 s22, v41;
	v2 =	vld.idx.msk [tilespmem:v0+s16+$0x0], $0xffff;
	_ =	sdelay $0x4  }
0xb4: {  	[tilespmem:v3+s17+$0x0] =	vst.idx.msk $0xffff, v2  }
0xb5: {  	v4 =	vor.u32 $0x1, v0;
	v1 =	vld [tilespmem:$0x1FFF0];
	_ =	sdelay $0x1  }
0xb6: {  	v5 =	vld [tilespmem:s20+$0xFFFFFFF0]  }
0xb7: {  	s28 =	simm.s32 $0x30  }
0xb8: {  	v3 =	vld [tilespmem:s28+$0x0]  }
0xb9: {  	v2 =	vld.idx.msk [tilespmem:v4+s16+$0x0], $0xffff;
	v4 =	vor.u32 s22, v1  }
0xba: {  	v7 =	vor.u32 $0x2, v0  }
0xbb: {  	v5 =	vshll.u32 v5, $0x3;
	_ =	sdelay $0x1  }
0xbc: {  	v8 =	vld [tilespmem:s28+$0xFFFFFFF0];
	v49 =	vshll.u32 v3, $0x3  }
0xbd: {  	[tilespmem:v4+s17+$0x0] =	vst.idx.msk $0xffff, v2  }
0xbe: {  	s24 =	simm.s32 $0x0;
	v3 =	vor.u32 s22, v43;
	v2 =	vld.idx.msk [tilespmem:v7+s16+$0x0], $0xffff  }
0xbf: {  	v9 =	vor.u32 s24, v41;
	v4 =	vor.u32 $0x3, v0;
	v7 =	vld.idx.msk [tilespmem:v5+s16+$0x0], $0xffff  }
0xc0: {  	s20 =	simm.s32 $0x180;
	v10 =	vor.u32 $0x1, v5  }
0xc1: {  	v12 =	vor.u32 s20, v41;
	v8 =	vshll.u32 v8, $0x3;
	v11 =	vld.idx.msk [tilespmem:v49+s16+$0x0], $0xffff  }
0xc2: {  	s21 =	simm.s32 $0x50  }
0xc3: {  	v15 =	vld [tilespmem:s21+$0x0];
	v13 =	vor.u32 $0x1, v49;
	[tilespmem:v3+s17+$0x0] =	vst.idx.msk $0xffff, v2  }
0xc4: {  	v3 =	vor.u32 s22, v44;
	[tilespmem:v9+s17+$0x0] =	vst.idx.msk $0xffff, v7;
	v2 =	vld.idx.msk [tilespmem:v4+s16+$0x0], $0xffff  }
0xc5: {  	s23 =	simm.s32 $0x100;
	v9 =	vor.u32 s24, v1;
	v4 =	vor.u32 $0x4, v0;
	v7 =	vld.idx.msk [tilespmem:v10+s16+$0x0], $0xffff  }
0xc6: {  	[tilespmem:v12+s17+$0x0] =	vst.idx.msk $0xffff, v11;
	v11 =	vor.u32 $0x2, v5;
	v12 =	vor.u32 s23, v41;
	v10 =	vld.idx.msk [tilespmem:v8+s16+$0x0], $0xffff;
	_ =	sdelay $0x1  }
0xc7: {  	v16 =	vor.u32 s20, v1;
	v13 =	vld.idx.msk [tilespmem:v13+s16+$0x0], $0xffff  }
0xc8: {  	[tilespmem:v3+s17+$0x0] =	vst.idx.msk $0xffff, v2;
	v2 =	vor.u32 $0x2, v49  }
0xc9: {  	v14 =	vor.u32 $0x1, v8;
	[tilespmem:v9+s17+$0x0] =	vst.idx.msk $0xffff, v7;
	v3 =	vld.idx.msk [tilespmem:v4+s16+$0x0], $0xffff;
	v4 =	vor.u32 s22, v45  }
0xca: {  	v50 =	vshll.u32 v15, $0x3;
	[tilespmem:v12+s17+$0x0] =	vst.idx.msk $0xffff, v10;
	v10 =	vor.u32 s24, v43;
	v9 =	vld.idx.msk [tilespmem:v11+s16+$0x0], $0xffff  }
0xcb: {  	s29 =	simm.s32 $0x70;
	v17 =	vor.u32 $0x5, v0;
	v7 =	vld [tilespmem:s21+$0xFFFFFFF0]  }
0xcc: {  	v18 =	vld [tilespmem:s29+$0xFFFFFFF0];
	[tilespmem:v16+s17+$0x0] =	vst.idx.msk $0xffff, v13;
	v12 =	vor.u32 $0x3, v5  }
0xcd: {  	v20 =	vor.u32 $0x6, v5;
	v51 =	vor.u32 $0x7, v5;
	v13 =	vor.u32 s20, v43;
	v2 =	vld.idx.msk [tilespmem:v2+s16+$0x0], $0xffff  }
0xce: {  	v16 =	vor.u32 s23, v1;
	s21 =	simm.s32 $0x280;
	v11 =	vld.idx.msk [tilespmem:v14+s16+$0x0], $0xffff;
	v14 =	vor.u32 $0x5, v5;
	[tilespmem:v4+s17+$0x0] =	vst.idx.msk $0xffff, v3;
	v4 =	vor.u32 $0x3, v49  }
0xcf: {  	v3 =	vor.u32 $0x4, v5;
	v5 =	vor.u32 $0x2, v8;
	[tilespmem:v10+s17+$0x0] =	vst.idx.msk $0xffff, v9;
	v9 =	vld.idx.msk [tilespmem:v50+s16+$0x0], $0xffff;
	v10 =	vor.u32 s21, v41  }
0xd0: {  	v19 =	vor.u32 s22, v46;
	v15 =	vld.idx.msk [tilespmem:v17+s16+$0x0], $0xffff;
	v17 =	vshll.u32 v7, $0x3  }
0xd1: {  	v21 =	vor.u32 s24, v44;
	v23 =	vor.u32 s24, v45;
	v25 =	vor.u32 $0x1, v50;
	v12 =	vld.idx.msk [tilespmem:v12+s16+$0x0], $0xffff  }
0xd2: {  	v24 =	vor.u32 s24, v46;
	v57 =	vor.u32 s24, v47;
	v22 =	vor.u32 $0x6, v0;
	v7 =	vld [tilespmem:s29+$0x0];
	[tilespmem:v13+s17+$0x0] =	vst.idx.msk $0xffff, v2  }
0xd3: {  	v28 =	vor.u32 s23, v43;
	[tilespmem:v16+s17+$0x0] =	vst.idx.msk $0xffff, v11;
	v13 =	vor.u32 s20, v44;
	v4 =	vld.idx.msk [tilespmem:v4+s16+$0x0], $0xffff  }
0xd4: {  	s30 =	simm.s32 $0x200;
	v26 =	vor.u32 $0x3, v8;
	v29 =	vor.u32 $0x4, v8;
	v27 =	vor.u32 $0x4, v49;
	v5 =	vld.idx.msk [tilespmem:v5+s16+$0x0], $0xffff;
	[tilespmem:v10+s17+$0x0] =	vst.idx.msk $0xffff, v9  }
0xd5: {  	v58 =	vor.u32 $0x5, v8;
	v55 =	vor.u32 $0x6, v8;
	v16 =	vor.u32 s30, v41;
	v11 =	vld.idx.msk [tilespmem:v17+s16+$0x0], $0xffff;
	[tilespmem:v19+s17+$0x0] =	vst.idx.msk $0xffff, v15  }
0xd6: {  	v54 =	vor.u32 $0x7, v8;
	v30 =	vor.u32 $0x1, v17;
	[tilespmem:v21+s17+$0x0] =	vst.idx.msk $0xffff, v12;
	v8 =	vld.idx.msk [tilespmem:v25+s16+$0x0], $0xffff;
	v12 =	vor.u32 s21, v1  }
0xd7: {  	v52 =	vor.u32 s24, v48;
	v10 =	vor.u32 s22, v47;
	v21 =	vor.u32 $0x2, v50;
	v9 =	vld.idx.msk [tilespmem:v22+s16+$0x0], $0xffff  }
0xd8: {  	v59 =	vor.u32 s23, v46;
	v56 =	vor.u32 s23, v47;
	v0 =	vor.u32 $0x7, v0;
	v15 =	vld.idx.msk [tilespmem:v3+s16+$0x0], $0xffff;
	[tilespmem:v13+s17+$0x0] =	vst.idx.msk $0xffff, v4  }
0xd9: {  	s31 =	simm.s32 $0x300;
	v53 =	vor.u32 s23, v48;
	v62 =	vor.u32 s30, v47;
	v61 =	vor.u32 s30, v48;
	[tilespmem:v28+s17+$0x0] =	vst.idx.msk $0xffff, v5;
	v13 =	vld.idx.msk [tilespmem:v27+s16+$0x0], $0xffff  }
0xda: {  	v39 =	vor.u32 s31, v41;
	v4 =	vshll.u32 v7, $0x3;
	[tilespmem:v16+s17+$0x0] =	vst.idx.msk $0xffff, v11;
	v16 =	vor.u32 s20, v45;
	v26 =	vld.idx.msk [tilespmem:v26+s16+$0x0], $0xffff  }
0xdb: {  	v34 =	vor.u32 s20, v46;
	v19 =	vor.u32 s23, v44;
	[tilespmem:v12+s17+$0x0] =	vst.idx.msk $0xffff, v8;
	v12 =	vshll.u32 v18, $0x3;
	v5 =	vld.idx.msk [tilespmem:v30+s16+$0x0], $0xffff  }
0xdc: {  	v31 =	vor.u32 $0x3, v50;
	v25 =	vor.u32 $0x5, v49;
	v27 =	vor.u32 s30, v1;
	[tilespmem:v10+s17+$0x0] =	vst.idx.msk $0xffff, v9;
	v18 =	vld.idx.msk [tilespmem:v21+s16+$0x0], $0xffff  }
0xdd: {  	v38 =	vor.u32 $0x6, v49;
	v63 =	vor.u32 $0x6, v17;
	[tilespmem:v23+s17+$0x0] =	vst.idx.msk $0xffff, v15;
	v21 =	vor.u32 s21, v43;
	v9 =	vld.idx.msk [tilespmem:v0+s16+$0x0], $0xffff  }
0xde: {  	v60 =	vor.u32 $0x7, v17;
	v22 =	vor.u32 $0x2, v17;
	v23 =	vor.u32 s22, v48;
	v30 =	vld.idx.msk [tilespmem:v14+s16+$0x0], $0xffff  }
0xdf: {  	v2 =	vor.u32 s23, v45;
	v3 =	vor.u32 $0x5, v17;
	v7 =	vor.u32 $0x4, v17;
	s22 =	simm.s32 $0x380;
	v33 =	vld.idx.msk [tilespmem:v4+s16+$0x0], $0xffff;
	[tilespmem:v16+s17+$0x0] =	vst.idx.msk $0xffff, v13  }
0xe0: {  	v11 =	vor.u32 $0x3, v17;
	v8 =	vor.u32 s30, v45;
	v37 =	vor.u32 s22, v41;
	[tilespmem:v19+s17+$0x0] =	vst.idx.msk $0xffff, v26;
	v35 =	vld.idx.msk [tilespmem:v12+s16+$0x0], $0xffff  }
0xe1: {  	v40 =	vor.u32 $0x1, v4;
	v15 =	vor.u32 s30, v43;
	v10 =	vor.u32 s30, v46;
	v32 =	vld.idx.msk [tilespmem:v25+s16+$0x0], $0xffff;
	[tilespmem:v27+s17+$0x0] =	vst.idx.msk $0xffff, v5  }
0xe2: {  	v17 =	vor.u32 $0x2, v12;
	v0 =	vor.u32 $0x1, v12;
	v14 =	vor.u32 $0x5, v12;
	[tilespmem:v21+s17+$0x0] =	vst.idx.msk $0xffff, v18;
	v25 =	vld.idx.msk [tilespmem:v29+s16+$0x0], $0xffff  }
0xe3: {  	v13 =	vor.u32 s30, v44;
	v19 =	vor.u32 $0x3, v12;
	v16 =	vor.u32 $0x4, v12;
	v28 =	vld.idx.msk [tilespmem:v22+s16+$0x0], $0xffff;
	[tilespmem:v23+s17+$0x0] =	vst.idx.msk $0xffff, v9  }
0xe4: {  	v5 =	vor.u32 $0x7, v12;
	v21 =	vor.u32 s31, v1;
	v18 =	vor.u32 s31, v44;
	v27 =	vld.idx.msk [tilespmem:v31+s16+$0x0], $0xffff;
	[tilespmem:v24+s17+$0x0] =	vst.idx.msk $0xffff, v30  }
0xe5: {  	v29 =	vor.u32 s20, v47;
	v9 =	vor.u32 $0x6, v12;
	v30 =	vor.u32 s31, v43;
	v26 =	vld.idx.msk [tilespmem:v20+s16+$0x0], $0xffff;
	[tilespmem:v37+s17+$0x0] =	vst.idx.msk $0xffff, v33  }
0xe6: {  	v23 =	vor.u32 s31, v45;
	v12 =	vor.u32 s31, v46;
	v31 =	vor.u32 s21, v44;
	v33 =	vld.idx.msk [tilespmem:v40+s16+$0x0], $0xffff;
	[tilespmem:v34+s17+$0x0] =	vst.idx.msk $0xffff, v32  }
0xe7: {  	s24 =	simm.s32 $0x90;
	s23 =	simm.s32 $0x6;
	v22 =	vor.u32 s31, v48;
	v20 =	vor.u32 s31, v47;
	[tilespmem:v39+s17+$0x0] =	vst.idx.msk $0xffff, v35;
	v32 =	vor.u32 $0x4, v50;
	v24 =	vld.idx.msk [tilespmem:v38+s16+$0x0], $0xffff  }
.LBB2_2:
0xe8: {  	v36 =	vld [tilespmem:$0x1FFF0];
	_ =	sdelay $0x4  }
0xe9: {  	v34 =	vld [tilespmem:s24+$0x0];
	[tilespmem:v15+s17+$0x0] =	vst.idx.msk $0xffff, v28;
	v35 =	vor.u32 s22, v36  }
0xea: {  	v28 =	vor.u32 $0x7, v49;
	v49 =	vmovc v50;
	v50 =	vmov v4;
	v15 =	vmov v30;
	[tilespmem:v31+s17+$0x0] =	vst.idx.msk $0xffff, v27;
	v30 =	vld [tilespmem:s24+$0xFFFFFFF0]  }
0xeb: {  	v38 =	vmov v22;
	v37 =	vor.u32 $0x2, v50;
	v22 =	vld.idx.msk [tilespmem:v32+s16+$0x0], $0xffff;
	[tilespmem:v2+s17+$0x0] =	vst.idx.msk $0xffff, v25  }
0xec: {  	v2 =	vmov v8;
	v8 =	vmov v23;
	v25 =	vor.u32 s21, v45;
	v23 =	vld.idx.msk [tilespmem:v0+s16+$0x0], $0xffff;
	[tilespmem:v57+s17+$0x0] =	vst.idx.msk $0xffff, v26  }
0xed: {  	v57 =	vmovc v56;
	v56 =	vmov v62;
	v62 =	vmov v20;
	v26 =	vor.u32 $0x5, v49;
	[tilespmem:v29+s17+$0x0] =	vst.idx.msk $0xffff, v24;
	v20 =	vld.idx.msk [tilespmem:v11+s16+$0x0], $0xffff  }
0xee: {  	v4 =	vshll.u32 v34, $0x3;
	v32 =	vld.idx.msk [tilespmem:v58+s16+$0x0], $0xffff;
	[tilespmem:v35+s17+$0x0] =	vst.idx.msk $0xffff, v33  }
0xef: {  	v27 =	vshll.u32 v30, $0x3;
	v24 =	vld.idx.msk [tilespmem:v28+s16+$0x0], $0xffff;
	v28 =	vor.u32 s20, v48  }
0xf0: {  	v29 =	vld.idx.msk [tilespmem:v37+s16+$0x0], $0xffff  }
0xf1: {  	v31 =	vor.u32 s22, v43;
	v1 =	vor.u32 $0x6, v49;
	v11 =	vmov v19;
	[tilespmem:v25+s17+$0x0] =	vst.idx.msk $0xffff, v22;
	v22 =	vld.idx.msk [tilespmem:v51+s16+$0x0], $0xffff  }
0xf2: {  	v58 =	vmovc v3;
	v34 =	vor.u32 $0x3, v50;
	v0 =	vor.u32 $0x1, v27;
	v30 =	vor.u32 $0x2, v27;
	s20 =	smov.u32 s21;
	[tilespmem:v21+s17+$0x0] =	vst.idx.msk $0xffff, v23;
	v26 =	vld.idx.msk [tilespmem:v26+s16+$0x0], $0xffff  }
0xf3: {  	v3 =	vmovc v14;
	v19 =	vor.u32 $0x3, v27;
	v14 =	vor.u32 $0x5, v27;
	s21 =	smov.u32 s22;
	s22 =	sadd.s32 $0x100, s22;
	v37 =	vld.idx.msk [tilespmem:v4+s16+$0x0], $0xffff;
	[tilespmem:v13+s17+$0x0] =	vst.idx.msk $0xffff, v20;
	v39 =	vor.u32 s20, v46  }
0xf4: {  	v33 =	vor.u32 $0x4, v27;
	v35 =	vor.u32 $0x6, v27;
	v42 =	vor.u32 s22, v41;
	v40 =	vld.idx.msk [tilespmem:v27+s16+$0x0], $0xffff;
	[tilespmem:v28+s17+$0x0] =	vst.idx.msk $0xffff, v24  }
0xf5: {  	s23 =	sadd.s32 $0x2, s23;
	v51 =	vmovc v54;
	v25 =	vor.u32 $0x7, v27;
	v54 =	vmov v60;
	v60 =	vmov v5;
	s25 =	sadd.s32 $0xFFFFFF80, s22;
	v28 =	vld.idx.msk [tilespmem:v17+s16+$0x0], $0xffff;
	[tilespmem:v59+s17+$0x0] =	vst.idx.msk $0xffff, v32  }
0xf6: {  	p0 =	slt.u32 s23, $0x1E;
	v5 =	vmovc v25;
	v13 =	vmovc v18;
	v6 =	vor.u32 s25, v41;
	v21 =	vor.u32 s25, v36;
	v36 =	vor.u32 $0x1, v4;
	[tilespmem:v31+s17+$0x0] =	vst.idx.msk $0xffff, v29  }
.Ltmp0:
0xf7: {  	v18 =	vor.u32 s25, v44;
	v23 =	vor.u32 s25, v45;
	v20 =	vor.u32 s25, v47;
	v17 =	vmovc v30;
	v25 =	vld.idx.msk [tilespmem:v7+s16+$0x0], $0xffff;
	[tilespmem:v52+s17+$0x0] =	vst.idx.msk $0xffff, v22;
	(pc) =	sbr.rel @p0 .LBB2_2-.Ltmp0, $4  }
0xf8: {  	v30 =	vor.u32 s25, v43;
	v59 =	vmovc v10;
	v32 =	vor.u32 $0x4, v50;
	v10 =	vmov v12;
	v27 =	vld.idx.msk [tilespmem:v34+s16+$0x0], $0xffff;
	[tilespmem:v39+s17+$0x0] =	vst.idx.msk $0xffff, v26  }
0xf9: {  	v29 =	vor.u32 s25, v46;
	v31 =	vor.u32 s21, v44;
	v7 =	vmovc v16;
	v22 =	vor.u32 s25, v48;
	v26 =	vld.idx.msk [tilespmem:v55+s16+$0x0], $0xffff;
	[tilespmem:v42+s17+$0x0] =	vst.idx.msk $0xffff, v37  }
0xfa: {  	v16 =	vmovc v33;
	v52 =	vmovc v53;
	v53 =	vmov v61;
	v61 =	vmov v38;
	v55 =	vmov v63;
	v24 =	vld.idx.msk [tilespmem:v1+s16+$0x0], $0xffff  }
0xfb: {  	s24 =	sadd.s32 $0x20, s24;
	v63 =	vmovc v9;
	v9 =	vmov v35;
	v12 =	vmov v29;
	[tilespmem:v6+s17+$0x0] =	vst.idx.msk $0xffff, v40;
	v29 =	vor.u32 s20, v47;
	v33 =	vld.idx.msk [tilespmem:v36+s16+$0x0], $0xffff  }
0xfc: {  	v37 =	vld [tilespmem:$0x1FFF0];
	_ =	sdelay $0x3  }
0xfd: {  	v0 =	vld.idx.msk [tilespmem:v0+s16+$0x0], $0xffff  }
0xfe: {  	v1 =	vor.u32 s22, v37  }
0xff: {  	v6 =	vor.u32 $0x2, v4;
	_ =	sdelay $0x2  }
0x100: {  	[tilespmem:v21+s17+$0x0] =	vst.idx.msk $0xffff, v0  }
0x101: {  	v0 =	vld.idx.msk [tilespmem:v17+s16+$0x0], $0xffff;
	[tilespmem:v1+s17+$0x0] =	vst.idx.msk $0xffff, v33  }
0x102: {  	v1 =	vld.idx.msk [tilespmem:v6+s16+$0x0], $0xffff;
	v6 =	vor.u32 s22, v43  }
0x103: {  	v39 =	vor.u32 $0x3, v4;
	_ =	sdelay $0x2  }
0x104: {  	[tilespmem:v30+s17+$0x0] =	vst.idx.msk $0xffff, v0  }
0x105: {  	v0 =	vld.idx.msk [tilespmem:v19+s16+$0x0], $0xffff;
	[tilespmem:v6+s17+$0x0] =	vst.idx.msk $0xffff, v1  }
0x106: {  	[tilespmem:v15+s17+$0x0] =	vst.idx.msk $0xffff, v28;
	v6 =	vor.u32 s22, v44;
	v1 =	vld.idx.msk [tilespmem:v39+s16+$0x0], $0xffff  }
0x107: {  	v15 =	vor.u32 $0x4, v4;
	v11 =	vld.idx.msk [tilespmem:v11+s16+$0x0], $0xffff;
	_ =	sdelay $0x1  }
0x108: {  	[tilespmem:v31+s17+$0x0] =	vst.idx.msk $0xffff, v27  }
0x109: {  	v17 =	vld.idx.msk [tilespmem:v32+s16+$0x0], $0xffff;
	v19 =	vor.u32 s21, v45;
	[tilespmem:v18+s17+$0x0] =	vst.idx.msk $0xffff, v0  }
0x10a: {  	v21 =	vor.u32 $0x5, v50;
	v0 =	vld.idx.msk [tilespmem:v16+s16+$0x0], $0xffff;
	[tilespmem:v6+s17+$0x0] =	vst.idx.msk $0xffff, v1  }
0x10b: {  	[tilespmem:v13+s17+$0x0] =	vst.idx.msk $0xffff, v11;
	v6 =	vor.u32 s22, v45;
	v1 =	vld.idx.msk [tilespmem:v15+s16+$0x0], $0xffff  }
0x10c: {  	[tilespmem:v2+s17+$0x0] =	vst.idx.msk $0xffff, v25;
	v11 =	vor.u32 $0x5, v4;
	v7 =	vld.idx.msk [tilespmem:v7+s16+$0x0], $0xffff  }
0x10d: {  	[tilespmem:v57+s17+$0x0] =	vst.idx.msk $0xffff, v26  }
0x10e: {  	v2 =	vor.u32 $0x7, v49;
	[tilespmem:v19+s17+$0x0] =	vst.idx.msk $0xffff, v17;
	v16 =	vld.idx.msk [tilespmem:v58+s16+$0x0], $0xffff  }
0x10f: {  	v13 =	vld.idx.msk [tilespmem:v21+s16+$0x0], $0xffff;
	v15 =	vor.u32 s21, v46;
	[tilespmem:v23+s17+$0x0] =	vst.idx.msk $0xffff, v0  }
0x110: {  	v17 =	vor.u32 $0x6, v50;
	v0 =	vld.idx.msk [tilespmem:v14+s16+$0x0], $0xffff;
	[tilespmem:v6+s17+$0x0] =	vst.idx.msk $0xffff, v1  }
0x111: {  	[tilespmem:v8+s17+$0x0] =	vst.idx.msk $0xffff, v7;
	v6 =	vor.u32 s22, v46;
	v1 =	vld.idx.msk [tilespmem:v11+s16+$0x0], $0xffff  }
0x112: {  	[tilespmem:v29+s17+$0x0] =	vst.idx.msk $0xffff, v24;
	v7 =	vor.u32 $0x6, v4;
	v3 =	vld.idx.msk [tilespmem:v3+s16+$0x0], $0xffff  }
0x113: {  	v2 =	vld.idx.msk [tilespmem:v2+s16+$0x0], $0xffff;
	v8 =	vor.u32 s20, v48;
	[tilespmem:v59+s17+$0x0] =	vst.idx.msk $0xffff, v16  }
0x114: {  	v14 =	vld.idx.msk [tilespmem:v55+s16+$0x0], $0xffff;
	[tilespmem:v15+s17+$0x0] =	vst.idx.msk $0xffff, v13  }
0x115: {  	v13 =	vor.u32 s21, v47;
	v11 =	vld.idx.msk [tilespmem:v17+s16+$0x0], $0xffff;
	[tilespmem:v12+s17+$0x0] =	vst.idx.msk $0xffff, v0  }
0x116: {  	v15 =	vor.u32 $0x7, v50;
	v0 =	vld.idx.msk [tilespmem:v9+s16+$0x0], $0xffff;
	[tilespmem:v6+s17+$0x0] =	vst.idx.msk $0xffff, v1  }
0x117: {  	[tilespmem:v10+s17+$0x0] =	vst.idx.msk $0xffff, v3;
	v3 =	vor.u32 s22, v47;
	v1 =	vld.idx.msk [tilespmem:v7+s16+$0x0], $0xffff  }
0x118: {  	v4 =	vor.u32 $0x7, v4;
	[tilespmem:v8+s17+$0x0] =	vst.idx.msk $0xffff, v2;
	v6 =	vld.idx.msk [tilespmem:v63+s16+$0x0], $0xffff  }
0x119: {  	v2 =	vld.idx.msk [tilespmem:v51+s16+$0x0], $0xffff;
	[tilespmem:v56+s17+$0x0] =	vst.idx.msk $0xffff, v14  }
0x11a: {  	v9 =	vld.idx.msk [tilespmem:v54+s16+$0x0], $0xffff;
	[tilespmem:v13+s17+$0x0] =	vst.idx.msk $0xffff, v11  }
0x11b: {  	v8 =	vor.u32 s21, v48;
	v7 =	vld.idx.msk [tilespmem:v15+s16+$0x0], $0xffff;
	[tilespmem:v20+s17+$0x0] =	vst.idx.msk $0xffff, v0  }
0x11c: {  	v0 =	vld.idx.msk [tilespmem:v5+s16+$0x0], $0xffff;
	[tilespmem:v3+s17+$0x0] =	vst.idx.msk $0xffff, v1  }
0x11d: {  	[tilespmem:v62+s17+$0x0] =	vst.idx.msk $0xffff, v6;
	v3 =	vor.u32 s22, v48;
	v1 =	vld.idx.msk [tilespmem:v4+s16+$0x0], $0xffff  }
0x11e: {  	[tilespmem:v52+s17+$0x0] =	vst.idx.msk $0xffff, v2;
	v4 =	vld.idx.msk [tilespmem:v60+s16+$0x0], $0xffff  }
0x11f: {  	[tilespmem:v53+s17+$0x0] =	vst.idx.msk $0xffff, v9  }
0x120: {  	[tilespmem:v8+s17+$0x0] =	vst.idx.msk $0xffff, v7  }
0x121: {  	[tilespmem:v22+s17+$0x0] =	vst.idx.msk $0xffff, v0  }
0x122: {  	[tilespmem:v3+s17+$0x0] =	vst.idx.msk $0xffff, v1  }
0x123: {  	s24 =	simm.s32 $0x210;
	[tilespmem:v61+s17+$0x0] =	vst.idx.msk $0xffff, v4  }
0x124: {  	[hbm4b:s7+s4] =	stream.linear.scatter [tilespmem:s17], [sflag:$0x1], $0x1000, $0x38;
	[tilespmem:$0x2D00] =	vst v63  }
0x125: {  	v0 =	vld [tilespmem:s24+$0x0];
	_ =	sdelay $0x4  }
0x126: {  	v0 =	vshll.u32 v0, $0x3;
	_ =	sdelay $0x3  }
0x127: {  	s25 =	simm.s32 $0x1080  }
0x128: {  	v2 =	vor.u32 s25, v41;
	v1 =	vld.idx.msk [tilespmem:v0+s16+$0x0], $0xffff  }
0x129: {  	v3 =	vor.u32 $0x1, v0;
	_ =	sdelay $0x1  }
0x12a: {  	v4 =	vld [tilespmem:s24+$0xFFFFFFF0];
	_ =	sdelay $0x1  }
0x12b: {  	[tilespmem:v2+s17+$0x0] =	vst.idx.msk $0xffff, v1  }
0x12c: {  	s26 =	simm.s32 $0x230;
	v1 =	vld.idx.msk [tilespmem:v3+s16+$0x0], $0xffff;
	v3 =	vor.u32 s25, v37  }
0x12d: {  	v5 =	vor.u32 $0x2, v0;
	v2 =	vld [tilespmem:s26+$0x0]  }
0x12e: {  	v4 =	vshll.u32 v4, $0x3;
	_ =	sdelay $0x2  }
0x12f: {  	v6 =	vld [tilespmem:s26+$0xFFFFFFF0];
	[tilespmem:v3+s17+$0x0] =	vst.idx.msk $0xffff, v1  }
0x130: {  	s24 =	simm.s32 $0x1000;
	v49 =	vshll.u32 v2, $0x3;
	v2 =	vor.u32 s25, v43;
	v1 =	vld.idx.msk [tilespmem:v5+s16+$0x0], $0xffff  }
0x131: {  	v7 =	vor.u32 s24, v41;
	v3 =	vor.u32 $0x3, v0;
	v5 =	vld.idx.msk [tilespmem:v4+s16+$0x0], $0xffff  }
0x132: {  	v8 =	vor.u32 $0x1, v4;
	_ =	sdelay $0x1  }
0x133: {  	s20 =	simm.s32 $0x1180  }
0x134: {  	v10 =	vor.u32 s20, v41;
	v6 =	vshll.u32 v6, $0x3;
	v9 =	vld.idx.msk [tilespmem:v49+s16+$0x0], $0xffff;
	[tilespmem:v2+s17+$0x0] =	vst.idx.msk $0xffff, v1  }
0x135: {  	v11 =	vor.u32 $0x1, v49;
	v2 =	vor.u32 s25, v44;
	[tilespmem:v7+s17+$0x0] =	vst.idx.msk $0xffff, v5;
	v1 =	vld.idx.msk [tilespmem:v3+s16+$0x0], $0xffff  }
0x136: {  	s29 =	simm.s32 $0x270;
	v7 =	vor.u32 s24, v37;
	v5 =	vld.idx.msk [tilespmem:v8+s16+$0x0], $0xffff  }
0x137: {  	s28 =	simm.s32 $0x250;
	v16 =	vld [tilespmem:s29+$0xFFFFFFF0];
	v3 =	vor.u32 $0x4, v0  }
0x138: {  	s23 =	simm.s32 $0x1100;
	v13 =	vld [tilespmem:s28+$0x0]  }
0x139: {  	v8 =	vld.idx.msk [tilespmem:v6+s16+$0x0], $0xffff;
	[tilespmem:v10+s17+$0x0] =	vst.idx.msk $0xffff, v9;
	v9 =	vor.u32 $0x2, v4;
	v10 =	vor.u32 s23, v41  }
0x13a: {  	v14 =	vor.u32 s20, v37;
	v12 =	vor.u32 $0x1, v6;
	v11 =	vld.idx.msk [tilespmem:v11+s16+$0x0], $0xffff;
	[tilespmem:v2+s17+$0x0] =	vst.idx.msk $0xffff, v1  }
0x13b: {  	v1 =	vor.u32 $0x2, v49;
	[tilespmem:v7+s17+$0x0] =	vst.idx.msk $0xffff, v5;
	v5 =	vld [tilespmem:s28+$0xFFFFFFF0]  }
0x13c: {  	v29 =	vshll.u32 v16, $0x3;
	v2 =	vld.idx.msk [tilespmem:v3+s16+$0x0], $0xffff;
	v3 =	vor.u32 s25, v45  }
0x13d: {  	v15 =	vor.u32 $0x5, v0  }
0x13e: {  	v50 =	vshll.u32 v13, $0x3;
	v7 =	vld.idx.msk [tilespmem:v9+s16+$0x0], $0xffff;
	[tilespmem:v10+s17+$0x0] =	vst.idx.msk $0xffff, v8;
	v8 =	vor.u32 s24, v43  }
0x13f: {  	v27 =	vor.u32 s23, v43;
	v10 =	vor.u32 $0x3, v4;
	v9 =	vld.idx.msk [tilespmem:v12+s16+$0x0], $0xffff;
	[tilespmem:v14+s17+$0x0] =	vst.idx.msk $0xffff, v11;
	v14 =	vor.u32 s23, v37  }
0x140: {  	v17 =	vor.u32 s25, v46;
	v11 =	vor.u32 s20, v43;
	v1 =	vld.idx.msk [tilespmem:v1+s16+$0x0], $0xffff;
	v5 =	vshll.u32 v5, $0x3  }
0x141: {  	v20 =	vor.u32 $0x6, v4;
	v51 =	vor.u32 $0x7, v4;
	v42 =	vld.idx.msk [tilespmem:v29+s16+$0x0], $0xffff;
	[tilespmem:v3+s17+$0x0] =	vst.idx.msk $0xffff, v2;
	v2 =	vor.u32 $0x3, v49  }
0x142: {  	s31 =	simm.s32 $0x1300;
	s21 =	simm.s32 $0x1280;
	v12 =	vor.u32 $0x5, v4;
	v3 =	vor.u32 $0x4, v4;
	v4 =	vor.u32 $0x2, v6;
	v13 =	vld.idx.msk [tilespmem:v15+s16+$0x0], $0xffff  }
0x143: {  	v35 =	vor.u32 s31, v41;
	[tilespmem:v8+s17+$0x0] =	vst.idx.msk $0xffff, v7;
	v7 =	vld.idx.msk [tilespmem:v50+s16+$0x0], $0xffff;
	v8 =	vor.u32 s21, v41  }
0x144: {  	s30 =	simm.s32 $0x1200;
	v30 =	vor.u32 s31, v43;
	v18 =	vor.u32 s24, v44;
	v23 =	vor.u32 $0x1, v50;
	v10 =	vld.idx.msk [tilespmem:v10+s16+$0x0], $0xffff;
	[tilespmem:v14+s17+$0x0] =	vst.idx.msk $0xffff, v9  }
0x145: {  	v31 =	vor.u32 s20, v46;
	v19 =	vor.u32 $0x6, v0;
	v14 =	vor.u32 s30, v41;
	[tilespmem:v11+s17+$0x0] =	vst.idx.msk $0xffff, v1;
	v9 =	vld.idx.msk [tilespmem:v5+s16+$0x0], $0xffff  }
0x146: {  	v59 =	vor.u32 s23, v46;
	v56 =	vor.u32 s23, v47;
	v11 =	vor.u32 s20, v44;
	v1 =	vld.idx.msk [tilespmem:v2+s16+$0x0], $0xffff  }
0x147: {  	v53 =	vor.u32 s23, v48;
	v24 =	vor.u32 $0x3, v6;
	v25 =	vor.u32 $0x4, v49;
	v4 =	vld.idx.msk [tilespmem:v4+s16+$0x0], $0xffff;
	[tilespmem:v17+s17+$0x0] =	vst.idx.msk $0xffff, v13  }
0x148: {  	v26 =	vor.u32 $0x4, v6;
	v58 =	vor.u32 $0x5, v6;
	v55 =	vor.u32 $0x6, v6;
	v15 =	vld [tilespmem:s29+$0x0];
	[tilespmem:v8+s17+$0x0] =	vst.idx.msk $0xffff, v7  }
0x149: {  	v54 =	vor.u32 $0x7, v6;
	v28 =	vor.u32 $0x1, v5;
	[tilespmem:v18+s17+$0x0] =	vst.idx.msk $0xffff, v10;
	v6 =	vld.idx.msk [tilespmem:v23+s16+$0x0], $0xffff;
	v10 =	vor.u32 s21, v37  }
0x14a: {  	v62 =	vor.u32 s30, v47;
	v8 =	vor.u32 s25, v47;
	v7 =	vld.idx.msk [tilespmem:v19+s16+$0x0], $0xffff;
	v18 =	vor.u32 $0x2, v50;
	[tilespmem:v14+s17+$0x0] =	vst.idx.msk $0xffff, v9  }
0x14b: {  	v61 =	vor.u32 s30, v48;
	v21 =	vor.u32 s24, v45;
	v0 =	vor.u32 $0x7, v0;
	v13 =	vld.idx.msk [tilespmem:v3+s16+$0x0], $0xffff;
	[tilespmem:v11+s17+$0x0] =	vst.idx.msk $0xffff, v1  }
0x14c: {  	v16 =	vor.u32 s21, v43;
	v63 =	vor.u32 $0x6, v5;
	v9 =	vor.u32 s20, v45;
	[tilespmem:v27+s17+$0x0] =	vst.idx.msk $0xffff, v4;
	v1 =	vld.idx.msk [tilespmem:v25+s16+$0x0], $0xffff  }
0x14d: {  	v60 =	vor.u32 $0x7, v5;
	v17 =	vor.u32 s23, v44;
	v4 =	vshll.u32 v15, $0x3;
	v24 =	vld.idx.msk [tilespmem:v24+s16+$0x0], $0xffff  }
0x14e: {  	v23 =	vor.u32 $0x5, v49;
	v3 =	vor.u32 $0x5, v5;
	v19 =	vld.idx.msk [tilespmem:v28+s16+$0x0], $0xffff;
	v25 =	vor.u32 s30, v37;
	[tilespmem:v10+s17+$0x0] =	vst.idx.msk $0xffff, v6  }
0x14f: {  	v14 =	vor.u32 $0x2, v5;
	v11 =	vor.u32 $0x3, v5;
	[tilespmem:v8+s17+$0x0] =	vst.idx.msk $0xffff, v7;
	v7 =	vor.u32 $0x4, v5;
	v5 =	vld.idx.msk [tilespmem:v18+s16+$0x0], $0xffff  }
0x150: {  	v22 =	vor.u32 s24, v46;
	v6 =	vld.idx.msk [tilespmem:v0+s16+$0x0], $0xffff;
	[tilespmem:v21+s17+$0x0] =	vst.idx.msk $0xffff, v13;
	v18 =	vor.u32 s25, v48  }
0x151: {  	s22 =	simm.s32 $0x1380;
	v57 =	vor.u32 s24, v47;
	v52 =	vor.u32 s24, v48;
	v21 =	vor.u32 $0x3, v50;
	v12 =	vld.idx.msk [tilespmem:v12+s16+$0x0], $0xffff;
	[tilespmem:v9+s17+$0x0] =	vst.idx.msk $0xffff, v1  }
0x152: {  	v32 =	vor.u32 $0x4, v50;
	v34 =	vor.u32 $0x6, v49;
	v40 =	vld.idx.msk [tilespmem:v4+s16+$0x0], $0xffff;
	[tilespmem:v17+s17+$0x0] =	vst.idx.msk $0xffff, v24;
	v24 =	vor.u32 s22, v41  }
0x153: {  	v2 =	vor.u32 s23, v45;
	v15 =	vor.u32 s30, v43;
	v36 =	vor.u32 $0x1, v4;
	[tilespmem:v25+s17+$0x0] =	vst.idx.msk $0xffff, v19;
	v1 =	vld.idx.msk [tilespmem:v23+s16+$0x0], $0xffff  }
0x154: {  	v8 =	vor.u32 s30, v45;
	v10 =	vor.u32 s30, v46;
	v13 =	vor.u32 s30, v44;
	v28 =	vld.idx.msk [tilespmem:v14+s16+$0x0], $0xffff;
	[tilespmem:v16+s17+$0x0] =	vst.idx.msk $0xffff, v5  }
0x155: {  	v0 =	vor.u32 $0x1, v29;
	v17 =	vor.u32 $0x2, v29;
	v19 =	vor.u32 $0x3, v29;
	v25 =	vld.idx.msk [tilespmem:v26+s16+$0x0], $0xffff;
	[tilespmem:v18+s17+$0x0] =	vst.idx.msk $0xffff, v6  }
0x156: {  	v9 =	vor.u32 $0x6, v29;
	v14 =	vor.u32 $0x5, v29;
	v23 =	vor.u32 s31, v45;
	v27 =	vld.idx.msk [tilespmem:v21+s16+$0x0], $0xffff;
	[tilespmem:v22+s17+$0x0] =	vst.idx.msk $0xffff, v12  }
0x157: {  	v16 =	vor.u32 $0x4, v29;
	v5 =	vor.u32 $0x7, v29;
	v18 =	vor.u32 s31, v44;
	v26 =	vld.idx.msk [tilespmem:v20+s16+$0x0], $0xffff;
	[tilespmem:v24+s17+$0x0] =	vst.idx.msk $0xffff, v40  }
0x158: {  	v29 =	vor.u32 s20, v47;
	v21 =	vor.u32 s31, v37;
	v12 =	vor.u32 s31, v46;
	[tilespmem:v31+s17+$0x0] =	vst.idx.msk $0xffff, v1;
	v33 =	vld.idx.msk [tilespmem:v36+s16+$0x0], $0xffff  }
0x159: {  	[tilespmem:v35+s17+$0x0] =	vst.idx.msk $0xffff, v42;
	s24 =	simm.s32 $0x290;
	s23 =	simm.s32 $0x26;
	v22 =	vor.u32 s31, v48;
	v20 =	vor.u32 s31, v47;
	v31 =	vor.u32 s21, v44;
	v24 =	vld.idx.msk [tilespmem:v34+s16+$0x0], $0xffff  }
.LBB2_4:
0x15a: {  	v40 =	vld [tilespmem:$0x1FFF0];
	_ =	sdelay $0x4  }
0x15b: {  	v1 =	vld [tilespmem:s24+$0x0];
	[tilespmem:v15+s17+$0x0] =	vst.idx.msk $0xffff, v28;
	v6 =	vor.u32 s22, v40  }
0x15c: {  	v28 =	vor.u32 $0x7, v49;
	v49 =	vmovc v50;
	v50 =	vmov v4;
	v15 =	vmov v30;
	[tilespmem:v31+s17+$0x0] =	vst.idx.msk $0xffff, v27;
	v30 =	vld [tilespmem:s24+$0xFFFFFFF0]  }
0x15d: {  	v35 =	vmov v22;
	v34 =	vor.u32 $0x2, v50;
	v22 =	vld.idx.msk [tilespmem:v32+s16+$0x0], $0xffff;
	[tilespmem:v2+s17+$0x0] =	vst.idx.msk $0xffff, v25  }
0x15e: {  	v2 =	vmov v8;
	v8 =	vmov v23;
	v25 =	vor.u32 s21, v45;
	v23 =	vld.idx.msk [tilespmem:v0+s16+$0x0], $0xffff;
	[tilespmem:v57+s17+$0x0] =	vst.idx.msk $0xffff, v26  }
0x15f: {  	v57 =	vmovc v56;
	v56 =	vmov v62;
	v62 =	vmov v20;
	v26 =	vor.u32 $0x5, v49;
	[tilespmem:v29+s17+$0x0] =	vst.idx.msk $0xffff, v24;
	v20 =	vld.idx.msk [tilespmem:v11+s16+$0x0], $0xffff  }
0x160: {  	v4 =	vshll.u32 v1, $0x3;
	v31 =	vld.idx.msk [tilespmem:v58+s16+$0x0], $0xffff;
	[tilespmem:v6+s17+$0x0] =	vst.idx.msk $0xffff, v33  }
0x161: {  	v1 =	vld.idx.msk [tilespmem:v28+s16+$0x0], $0xffff  }
0x162: {  	v6 =	vshll.u32 v30, $0x3;
	v24 =	vld.idx.msk [tilespmem:v34+s16+$0x0], $0xffff  }
0x163: {  	v27 =	vor.u32 s20, v48;
	s20 =	smov.u32 s21;
	[tilespmem:v25+s17+$0x0] =	vst.idx.msk $0xffff, v22;
	v22 =	vld.idx.msk [tilespmem:v51+s16+$0x0], $0xffff  }
0x164: {  	v32 =	vor.u32 $0x3, v50;
	v37 =	vor.u32 s20, v46;
	[tilespmem:v21+s17+$0x0] =	vst.idx.msk $0xffff, v23;
	v26 =	vld.idx.msk [tilespmem:v26+s16+$0x0], $0xffff  }
0x165: {  	v11 =	vmovc v19;
	v30 =	vor.u32 s22, v43;
	v0 =	vor.u32 $0x1, v6;
	v29 =	vor.u32 $0x2, v6;
	v36 =	vld.idx.msk [tilespmem:v4+s16+$0x0], $0xffff;
	[tilespmem:v13+s17+$0x0] =	vst.idx.msk $0xffff, v20  }
0x166: {  	s21 =	smov.u32 s22;
	v58 =	vmovc v3;
	v3 =	vmovc v14;
	s22 =	sadd.s32 $0x100, s22;
	v19 =	vor.u32 $0x3, v6;
	v33 =	vor.u32 $0x4, v6;
	v14 =	vor.u32 $0x5, v6;
	v28 =	vld.idx.msk [tilespmem:v17+s16+$0x0], $0xffff  }
0x167: {  	v34 =	vor.u32 $0x6, v6;
	v25 =	vor.u32 $0x7, v6;
	v38 =	vor.u32 s22, v41;
	v6 =	vld.idx.msk [tilespmem:v6+s16+$0x0], $0xffff;
	[tilespmem:v59+s17+$0x0] =	vst.idx.msk $0xffff, v31  }
0x168: {  	s23 =	sadd.s32 $0x2, s23;
	v39 =	vor.u32 $0x6, v49;
	v51 =	vmovc v54;
	v54 =	vmov v60;
	v60 =	vmov v5;
	s25 =	sadd.s32 $0xFFFFFF80, s22;
	[tilespmem:v27+s17+$0x0] =	vst.idx.msk $0xffff, v1  }
0x169: {  	p0 =	slt.u32 s23, $0x3E;
	v5 =	vmovc v25;
	v21 =	vor.u32 s25, v40;
	v40 =	vor.u32 $0x1, v4;
	v1 =	vor.u32 s25, v41;
	v25 =	vld.idx.msk [tilespmem:v7+s16+$0x0], $0xffff;
	[tilespmem:v52+s17+$0x0] =	vst.idx.msk $0xffff, v22  }
.Ltmp1:
0x16a: {  	v13 =	vmovc v18;
	v18 =	vor.u32 s25, v44;
	v23 =	vor.u32 s25, v45;
	v20 =	vor.u32 s25, v47;
	v17 =	vmovc v29;
	[tilespmem:v30+s17+$0x0] =	vst.idx.msk $0xffff, v24;
	(pc) =	sbr.rel @p0 .LBB2_4-.Ltmp1, $4  }
0x16b: {  	v29 =	vor.u32 s25, v46;
	v59 =	vmovc v10;
	v31 =	vor.u32 s21, v44;
	v10 =	vmov v12;
	v27 =	vld.idx.msk [tilespmem:v32+s16+$0x0], $0xffff;
	[tilespmem:v37+s17+$0x0] =	vst.idx.msk $0xffff, v26  }
0x16c: {  	v12 =	vmovc v29;
	v29 =	vor.u32 s20, v47;
	v7 =	vmov v16;
	v22 =	vor.u32 s25, v48;
	v26 =	vld.idx.msk [tilespmem:v55+s16+$0x0], $0xffff;
	[tilespmem:v38+s17+$0x0] =	vst.idx.msk $0xffff, v36  }
0x16d: {  	v16 =	vmovc v33;
	v52 =	vmovc v53;
	v53 =	vmov v61;
	v61 =	vmov v35;
	v30 =	vor.u32 s25, v43;
	v24 =	vld.idx.msk [tilespmem:v39+s16+$0x0], $0xffff  }
0x16e: {  	s24 =	sadd.s32 $0x20, s24;
	v32 =	vor.u32 $0x4, v50;
	v55 =	vmovc v63;
	v63 =	vmov v9;
	v9 =	vmov v34;
	v33 =	vld.idx.msk [tilespmem:v40+s16+$0x0], $0xffff;
	[tilespmem:v1+s17+$0x0] =	vst.idx.msk $0xffff, v6  }
0x16f: {  	v1 =	vld [tilespmem:$0x1FFF0];
	_ =	sdelay $0x3  }
0x170: {  	v0 =	vld.idx.msk [tilespmem:v0+s16+$0x0], $0xffff  }
0x171: {  	v1 =	vor.u32 s22, v1  }
0x172: {  	v6 =	vor.u32 $0x2, v4;
	_ =	sdelay $0x2  }
0x173: {  	[tilespmem:v21+s17+$0x0] =	vst.idx.msk $0xffff, v0  }
0x174: {  	v17 =	vld.idx.msk [tilespmem:v17+s16+$0x0], $0xffff;
	[tilespmem:v1+s17+$0x0] =	vst.idx.msk $0xffff, v33  }
0x175: {  	v42 =	vor.u32 s22, v43;
	v1 =	vld.idx.msk [tilespmem:v6+s16+$0x0], $0xffff  }
0x176: {  	[tilespmem:v15+s17+$0x0] =	vst.idx.msk $0xffff, v28;
	v21 =	vor.u32 $0x3, v4  }
0x177: {  	v34 =	vld.idx.msk [tilespmem:v11+s16+$0x0], $0xffff;
	_ =	sdelay $0x1  }
0x178: {  	[tilespmem:v30+s17+$0x0] =	vst.idx.msk $0xffff, v17  }
0x179: {  	v36 =	vld.idx.msk [tilespmem:v19+s16+$0x0], $0xffff;
	[tilespmem:v42+s17+$0x0] =	vst.idx.msk $0xffff, v1  }
0x17a: {  	v33 =	vor.u32 s22, v44;
	v0 =	vld.idx.msk [tilespmem:v21+s16+$0x0], $0xffff  }
0x17b: {  	v35 =	vor.u32 $0x4, v4;
	[tilespmem:v13+s17+$0x0] =	vst.idx.msk $0xffff, v34  }
0x17c: {  	[tilespmem:v31+s17+$0x0] =	vst.idx.msk $0xffff, v27;
	v6 =	vld.idx.msk [tilespmem:v7+s16+$0x0], $0xffff  }
0x17d: {  	v38 =	vor.u32 s21, v45;
	v37 =	vld.idx.msk [tilespmem:v32+s16+$0x0], $0xffff  }
0x17e: {  	v39 =	vor.u32 $0x5, v50;
	[tilespmem:v18+s17+$0x0] =	vst.idx.msk $0xffff, v36  }
0x17f: {  	v27 =	vld.idx.msk [tilespmem:v16+s16+$0x0], $0xffff;
	[tilespmem:v33+s17+$0x0] =	vst.idx.msk $0xffff, v0  }
0x180: {  	v40 =	vor.u32 s22, v45;
	[tilespmem:v2+s17+$0x0] =	vst.idx.msk $0xffff, v25;
	v0 =	vld.idx.msk [tilespmem:v35+s16+$0x0], $0xffff  }
0x181: {  	v42 =	vor.u32 $0x5, v4;
	[tilespmem:v8+s17+$0x0] =	vst.idx.msk $0xffff, v6  }
0x182: {  	v28 =	vor.u32 $0x7, v49;
	[tilespmem:v38+s17+$0x0] =	vst.idx.msk $0xffff, v37;
	v3 =	vld.idx.msk [tilespmem:v3+s16+$0x0], $0xffff  }
0x183: {  	v31 =	vor.u32 s21, v46;
	[tilespmem:v57+s17+$0x0] =	vst.idx.msk $0xffff, v26;
	v30 =	vld.idx.msk [tilespmem:v39+s16+$0x0], $0xffff  }
0x184: {  	v32 =	vld.idx.msk [tilespmem:v58+s16+$0x0], $0xffff;
	v33 =	vor.u32 $0x6, v50;
	[tilespmem:v23+s17+$0x0] =	vst.idx.msk $0xffff, v27  }
0x185: {  	v2 =	vld.idx.msk [tilespmem:v14+s16+$0x0], $0xffff;
	[tilespmem:v40+s17+$0x0] =	vst.idx.msk $0xffff, v0  }
0x186: {  	[tilespmem:v29+s17+$0x0] =	vst.idx.msk $0xffff, v24;
	v34 =	vor.u32 s22, v46;
	v0 =	vld.idx.msk [tilespmem:v42+s16+$0x0], $0xffff  }
0x187: {  	v37 =	vor.u32 s20, v48;
	v36 =	vld.idx.msk [tilespmem:v28+s16+$0x0], $0xffff;
	[tilespmem:v10+s17+$0x0] =	vst.idx.msk $0xffff, v3;
	v35 =	vor.u32 $0x6, v4  }
0x188: {  	[tilespmem:v31+s17+$0x0] =	vst.idx.msk $0xffff, v30;
	v3 =	vld.idx.msk [tilespmem:v63+s16+$0x0], $0xffff  }
0x189: {  	[tilespmem:v59+s17+$0x0] =	vst.idx.msk $0xffff, v32;
	v39 =	vor.u32 s21, v47;
	v38 =	vld.idx.msk [tilespmem:v33+s16+$0x0], $0xffff  }
0x18a: {  	v40 =	vld.idx.msk [tilespmem:v55+s16+$0x0], $0xffff;
	v42 =	vor.u32 $0x7, v50;
	[tilespmem:v12+s17+$0x0] =	vst.idx.msk $0xffff, v2  }
0x18b: {  	v2 =	vld.idx.msk [tilespmem:v9+s16+$0x0], $0xffff;
	[tilespmem:v34+s17+$0x0] =	vst.idx.msk $0xffff, v0  }
0x18c: {  	v49 =	vor.u32 s22, v47;
	[tilespmem:v37+s17+$0x0] =	vst.idx.msk $0xffff, v36;
	v0 =	vld.idx.msk [tilespmem:v35+s16+$0x0], $0xffff  }
0x18d: {  	v55 =	vld.idx.msk [tilespmem:v51+s16+$0x0], $0xffff;
	[tilespmem:v62+s17+$0x0] =	vst.idx.msk $0xffff, v3;
	v50 =	vor.u32 $0x7, v4  }
0x18e: {  	v3 =	vld.idx.msk [tilespmem:v60+s16+$0x0], $0xffff;
	[tilespmem:v39+s17+$0x0] =	vst.idx.msk $0xffff, v38  }
0x18f: {  	v58 =	vor.u32 s21, v48;
	[tilespmem:v56+s17+$0x0] =	vst.idx.msk $0xffff, v40;
	v57 =	vld.idx.msk [tilespmem:v42+s16+$0x0], $0xffff  }
0x190: {  	v59 =	vld.idx.msk [tilespmem:v54+s16+$0x0], $0xffff;
	[tilespmem:v20+s17+$0x0] =	vst.idx.msk $0xffff, v2  }
0x191: {  	v2 =	vld.idx.msk [tilespmem:v5+s16+$0x0], $0xffff;
	[tilespmem:v49+s17+$0x0] =	vst.idx.msk $0xffff, v0  }
0x192: {  	v63 =	vor.u32 s22, v48;
	[tilespmem:v52+s17+$0x0] =	vst.idx.msk $0xffff, v55;
	v0 =	vld.idx.msk [tilespmem:v50+s16+$0x0], $0xffff  }
0x193: {  	[tilespmem:v61+s17+$0x0] =	vst.idx.msk $0xffff, v3  }
0x194: {  	[tilespmem:v58+s17+$0x0] =	vst.idx.msk $0xffff, v57  }
0x195: {  	[tilespmem:v53+s17+$0x0] =	vst.idx.msk $0xffff, v59  }
0x196: {  	[tilespmem:v22+s17+$0x0] =	vst.idx.msk $0xffff, v2  }
0x197: {  	s19 =	sadd.s32 $0x1, s19;
	[tilespmem:v63+s17+$0x0] =	vst.idx.msk $0xffff, v0  }
0x198: {  	[hbm4b:s8+s4] =	stream.linear.scatter [tilespmem:s18], [sflag:$0x1], $0x1000, $0x38;
	[tilespmem:$0x2D00] =	vst v63  }
0x199: {  	p0 =	sne.s32 s19, s9;
	_ =	swait.ge [sflag:s15], $0x1000  }
.Ltmp2:
0x19a: {  	[sflag:s15] =	ssyncset.done $0x0;
	(pc) =	sbr.rel @p0 .LBB2_1-.Ltmp2, $4  }
0x19b: {  	[sflag:s15] =	ssyncadd.s32 $0xFFFFF000  }
0x19c: {  	_ =	swait.ge [sflag:s15], $0x1000  }
0x19d: {  	[sflag:s15] =	ssyncset.done $0x0  }
0x19e: {  	[sflag:s15] =	ssyncadd.s32 $0xFFFFF000  }
0x19f: {  	_ =	sfence.sel $0x180000  }
0x1a0: {  	[bflag:$0x0] =	sbarrier.arrive $0xFFFF  }
0x1a1: {  	p0 =	sne.s32 s5, $0x0;
	_ =	strace $0x90000047  }
0x1a2: {  	s0 =	sadd.s32 @!p0 $0x100000, s3;
	[bflag:$0x2] =	sbarrier.arrive $0xFFFF  }
0x1a3: {  	[sflag:s0] =	ssyncadd.tile.s32 @!p0 $0x1;
	_ =	shalt  }
.Lfunc_end2:
_tile_overlayer_lowered:
.L_overlay_start_2:
0x1a4: {  	(tag) =	ssettag $0x2  }
0x1a5: {  	s0 =	rddreg [dreg:$0x0];
	s2 =	stileid.u32  }
0x1a6: {  	s1 =	rddreg [dreg:$0x1];
	p0 =	sne.s32 s2, $0x0  }
0x1a7: {  	s3 =	rddreg [dreg:$0x2];
	[bflag:$0x3] =	sbarrier.arrive $0xFFFF;
	s2 =	simm.s32 @!p0 $0x1C03  }
0x1a8: {  	[timem:s3], [sflag:s2] =	dma.local @!p0 [hbm:s0], s1  }
0x1a9: {  	s0 =	simm.s32 @!p0 $0x3  }
0x1aa: {  	_ =	swait.ge @!p0 [sflag:s0], s1  }
0x1ab: {  	s1 =	ssub.s32 @!p0 $0x0, s1;
	[sflag:s0] =	ssyncset.done @!p0 $0x0  }
0x1ac: {  	[sflag:s0] =	ssyncadd.s32 @!p0 s1  }
0x1ad: {  	[bflag:$0x3] =	sbarrier.arrive $0xFFFF  }
0x1ae: {  	_ =	shalt  }

</sc_bundles>
